<compile_context>
chip_gen: v7x
topology: tpu7x:2x2x1
jax: 0.10.2.dev20260603
libtpu: 0.0.44.dev20260713+nightly
codegen_flags: <defaults>
</compile_context>

<pallas_src>
import functools

import jax
import jax.numpy as jnp
from jax import lax
from jax.experimental import pallas as pl
from jax.experimental.pallas import tpu as pltpu
from jax.experimental.pallas import tpu_sc as plsc


def kernel(inputs, memory):
    B, D = inputs.shape
    L, _ = memory.shape
    info = plsc.get_sparse_core_info()
    NC, NS = info.num_cores, info.num_subcores
    NW = NC * NS
    assert B % NW == 0
    b_per_w = B // NW

    mesh = plsc.VectorSubcoreMesh(core_axis_name="c", subcore_axis_name="s")

    @functools.partial(
        pl.kernel,
        mesh=mesh,
        out_type=jax.ShapeDtypeStruct((B, L, D), jnp.float32),
        scratch_types=[
            pltpu.VMEM_SHARED((L, D), jnp.float32),
            pltpu.VMEM((b_per_w, D), jnp.float32),
            pltpu.SemaphoreType.DMA,
            pltpu.SemaphoreType.DMA,
        ],
        compiler_params=pltpu.CompilerParams(use_tc_tiling_on_sc=False),
    )
    def _sc_broadcast(inputs_hbm, memory_hbm, out_hbm, mem_s, in_v,
                      sem_big, sem_small):
        sid = lax.axis_index("s")
        wid = sid * NC + lax.axis_index("c")
        base = wid * b_per_w

        @pl.when(sid == 0)
        def _stage_memory():
            pltpu.sync_copy(memory_hbm, mem_s)

        pltpu.sync_copy(inputs_hbm.at[pl.ds(base, b_per_w)], in_v)
        plsc.subcore_barrier()
        copies = [pltpu.async_copy(
            in_v, out_hbm.at[pl.ds(base, b_per_w), 0], sem_small)]
        for j in range(b_per_w):
            copies.append(pltpu.async_copy(
                mem_s.at[pl.ds(1, L - 1)],
                out_hbm.at[base + j, pl.ds(1, L - 1)],
                sem_big))
        for c in copies:
            c.wait()

    return _sc_broadcast(inputs, memory)

# --- scband reference (transcript-rebuilt; emitter-appended) ---
"""Pipeline reference for scband-sliding-window-memory-72627896975940 (READ-ONLY COPY).

The authoritative reference and input builder live on the scoring server;
editing this copy changes nothing except your own understanding.
"""

import jax, jax.numpy as jnp
import numpy as np

LENGTH = 200
BATCH = 1024
DIM = 128


def setup_inputs(seed: int = 0) -> dict:
    key = jax.random.key(seed)
    k1, = jax.random.split(key, 1)
    inputs = jax.random.normal(k1, (BATCH, DIM), dtype=jnp.float32)
    # learned/state buffer created in build(): zeros([length, d])
    memory = jnp.zeros((LENGTH, DIM), dtype=jnp.float32)
    return {"inputs": inputs, "memory": memory}


def reference(inputs, memory):
    # Faithful translation of the TF loop:
    #   for d in range(B):
    #       memory = concat([inputs[d][None], memory[1:]], axis=0)
    #       outs[d] = memory
    # Note: the original drops memory[0] (the previous front) at each step,
    # so we replicate that exact update rule via lax.scan.
    def step(mem, x):
        new_mem = jnp.concatenate([x[None, :], mem[1:]], axis=0)
        return new_mem, new_mem

    _, outs = jax.lax.scan(step, memory, inputs)
    return outs  # [B, length, d]

if __name__ == "__main__":
    import jax
    _d = setup_inputs()
    print(jax.jit(kernel)(*tuple(_d.values())))

</pallas_src>

<mosaic_0001>
#map = affine_map<(d0, d1) -> (0, 0)>
#map1 = affine_map<(d0, d1) -> (0, 0, 0)>
module attributes {stable_mosaic.version = 14 : i64} {
  func.func @_sc_broadcast(%arg0: i32, %arg1: i32, %arg2: memref<1024x128xf32, #tpu.memory_space<hbm>>, %arg3: memref<200x128xf32, #tpu.memory_space<hbm>>, %arg4: memref<1024x200x128xf32, #tpu.memory_space<hbm>>, %arg5: memref<200x128xf32, #tpu.memory_space<vmem_shared>>, %arg6: memref<32x128xf32, #tpu.memory_space<vmem>>, %arg7: memref<!tpu.dma_semaphore, #tpu.memory_space<semaphore_mem>>, %arg8: memref<!tpu.dma_semaphore, #tpu.memory_space<semaphore_mem>>) attributes {dimension_semantics = [#tpu.dimension_semantics<core_parallel>, #tpu.dimension_semantics<subcore_parallel>], iteration_bounds = array<i64: 2, 16>, scalar_prefetch = 0 : i64, scratch_operands = 4 : i64, tpu.core_type = #tpu.core_type<sc_vector_subcore>, window_params = [{transform_indices = #map}, {transform_indices = #map}, {transform_indices = #map1}]} {
    %mul3A = arith.constant 2 : i32
    %mul3A_0 = arith.muli %arg1, %mul3A : i32
    %add3A = arith.addi %mul3A_0, %arg0 : i32
    %mul3A_1 = arith.constant 32 : i32
    %mul3A_2 = arith.muli %add3A, %mul3A_1 : i32
    %eq3A = arith.constant 0 : i32
    %eq3A_3 = arith.cmpi eq, %arg1, %eq3A : i32
    %convert_element_type3A = arith.extui %eq3A_3 : i1 to i32
    %cond3A = arith.constant 0 : i32
    %cond3A_4 = arith.cmpi ne, %convert_element_type3A, %cond3A : i32
    scf.if %cond3A_4 {
      "tpu.region"() ({
        %run_scoped3A = tpu.sem_alloc : memref<!tpu.dma_semaphore, #tpu.memory_space<semaphore_mem>>
        tpu.enqueue_dma source(%arg3 : memref<200x128xf32, #tpu.memory_space<hbm>>) target(%arg5 : memref<200x128xf32, #tpu.memory_space<vmem_shared>>) target_semaphore(%run_scoped3A : memref<!tpu.dma_semaphore, #tpu.memory_space<semaphore_mem>>)
        tpu.wait_dma2 semaphore(%run_scoped3A : memref<!tpu.dma_semaphore, #tpu.memory_space<semaphore_mem>>) src(%arg3 : memref<200x128xf32, #tpu.memory_space<hbm>>) dst(%arg5 : memref<200x128xf32, #tpu.memory_space<vmem_shared>>)
        tpu.yield
      }) : () -> ()
    } else {
    }
    "tpu.region"() ({
      %run_scoped3A = tpu.sem_alloc : memref<!tpu.dma_semaphore, #tpu.memory_space<semaphore_mem>>
      %dma_start3A_529 = arith.constant 0 : i32
      %dma_start3A_530 = tpu.memref_slice %arg2[%mul3A_2, %dma_start3A_529] : memref<1024x128xf32, #tpu.memory_space<hbm>> -> memref<32x128xf32, #tpu.memory_space<hbm>>
      %dma_start3A_531 = arith.constant 0 : i32
      %dma_start3A_532 = tpu.memref_slice %arg2[%mul3A_2, %dma_start3A_531] : memref<1024x128xf32, #tpu.memory_space<hbm>> -> memref<32x128xf32, #tpu.memory_space<hbm>>
      tpu.enqueue_dma source(%dma_start3A_532 : memref<32x128xf32, #tpu.memory_space<hbm>>) target(%arg6 : memref<32x128xf32, #tpu.memory_space<vmem>>) target_semaphore(%run_scoped3A : memref<!tpu.dma_semaphore, #tpu.memory_space<semaphore_mem>>)
      %dma_wait3A_533 = arith.constant 0 : i32
      %dma_wait3A_534 = tpu.memref_slice %arg2[%mul3A_2, %dma_wait3A_533] : memref<1024x128xf32, #tpu.memory_space<hbm>> -> memref<32x128xf32, #tpu.memory_space<hbm>>
      %dma_wait3A_535 = arith.constant 0 : i32
      %dma_wait3A_536 = tpu.memref_slice %arg2[%mul3A_2, %dma_wait3A_535] : memref<1024x128xf32, #tpu.memory_space<hbm>> -> memref<32x128xf32, #tpu.memory_space<hbm>>
      tpu.wait_dma2 semaphore(%run_scoped3A : memref<!tpu.dma_semaphore, #tpu.memory_space<semaphore_mem>>) src(%dma_wait3A_536 : memref<32x128xf32, #tpu.memory_space<hbm>>) dst(%arg6 : memref<32x128xf32, #tpu.memory_space<vmem>>)
      tpu.yield
    }) : () -> ()
    %barrier3A = arith.constant 0 : index
    tpu.barrier barrier_id(%barrier3A)
    %dma_start3A = arith.constant 0 : i32
    %dma_start3A_5 = arith.constant 0 : i32
    %dma_start3A_6 = tpu.memref_slice %arg4[%mul3A_2, %dma_start3A, %dma_start3A_5] : memref<1024x200x128xf32, #tpu.memory_space<hbm>> -> memref<32x1x128xf32, #tpu.memory_space<hbm>>
    %dma_start3A_7 = tpu.memref_squeeze %dma_start3A_6 : memref<32x1x128xf32, #tpu.memory_space<hbm>> -> memref<32x128xf32, #tpu.memory_space<hbm>>
    %dma_start3A_8 = arith.constant 0 : i32
    %dma_start3A_9 = tpu.memref_slice %arg4[%mul3A_2, %dma_start3A, %dma_start3A_8] : memref<1024x200x128xf32, #tpu.memory_space<hbm>> -> memref<32x1x128xf32, #tpu.memory_space<hbm>>
    %dma_start3A_10 = tpu.memref_squeeze %dma_start3A_9 : memref<32x1x128xf32, #tpu.memory_space<hbm>> -> memref<32x128xf32, #tpu.memory_space<hbm>>
    tpu.enqueue_dma source(%arg6 : memref<32x128xf32, #tpu.memory_space<vmem>>) target(%dma_start3A_10 : memref<32x128xf32, #tpu.memory_space<hbm>>) target_semaphore(%arg8 : memref<!tpu.dma_semaphore, #tpu.memory_space<semaphore_mem>>)
    %add3A_11 = arith.constant 0 : i32
    %add3A_12 = arith.addi %mul3A_2, %add3A_11 : i32
    %dma_start3A_13 = arith.constant 1 : i32
    %dma_start3A_14 = arith.constant 0 : i32
    %dma_start3A_15 = tpu.memref_slice %arg4[%add3A_12, %dma_start3A_13, %dma_start3A_14] : memref<1024x200x128xf32, #tpu.memory_space<hbm>> -> memref<1x199x128xf32, #tpu.memory_space<hbm>>
    %dma_start3A_16 = tpu.memref_squeeze %dma_start3A_15 : memref<1x199x128xf32, #tpu.memory_space<hbm>> -> memref<199x128xf32, #tpu.memory_space<hbm>>
    %dma_start3A_17 = arith.constant 1 : i32
    %dma_start3A_18 = arith.constant 0 : i32
    %dma_start3A_19 = tpu.memref_slice %arg5[%dma_start3A_17, %dma_start3A_18] : memref<200x128xf32, #tpu.memory_space<vmem_shared>> -> memref<199x128xf32, #tpu.memory_space<vmem_shared>>
    tpu.enqueue_dma source(%dma_start3A_19 : memref<199x128xf32, #tpu.memory_space<vmem_shared>>) target(%dma_start3A_16 : memref<199x128xf32, #tpu.memory_space<hbm>>) target_semaphore(%arg7 : memref<!tpu.dma_semaphore, #tpu.memory_space<semaphore_mem>>)
    %add3A_20 = arith.constant 1 : i32
    %add3A_21 = arith.addi %mul3A_2, %add3A_20 : i32
    %dma_start3A_22 = arith.constant 1 : i32
    %dma_start3A_23 = arith.constant 0 : i32
    %dma_start3A_24 = tpu.memref_slice %arg4[%add3A_21, %dma_start3A_22, %dma_start3A_23] : memref<1024x200x128xf32, #tpu.memory_space<hbm>> -> memref<1x199x128xf32, #tpu.memory_space<hbm>>
    %dma_start3A_25 = tpu.memref_squeeze %dma_start3A_24 : memref<1x199x128xf32, #tpu.memory_space<hbm>> -> memref<199x128xf32, #tpu.memory_space<hbm>>
    %dma_start3A_26 = arith.constant 1 : i32
    %dma_start3A_27 = arith.constant 0 : i32
    %dma_start3A_28 = tpu.memref_slice %arg5[%dma_start3A_26, %dma_start3A_27] : memref<200x128xf32, #tpu.memory_space<vmem_shared>> -> memref<199x128xf32, #tpu.memory_space<vmem_shared>>
    tpu.enqueue_dma source(%dma_start3A_28 : memref<199x128xf32, #tpu.memory_space<vmem_shared>>) target(%dma_start3A_25 : memref<199x128xf32, #tpu.memory_space<hbm>>) target_semaphore(%arg7 : memref<!tpu.dma_semaphore, #tpu.memory_space<semaphore_mem>>)
    %add3A_29 = arith.constant 2 : i32
    %add3A_30 = arith.addi %mul3A_2, %add3A_29 : i32
    %dma_start3A_31 = arith.constant 1 : i32
    %dma_start3A_32 = arith.constant 0 : i32
    %dma_start3A_33 = tpu.memref_slice %arg4[%add3A_30, %dma_start3A_31, %dma_start3A_32] : memref<1024x200x128xf32, #tpu.memory_space<hbm>> -> memref<1x199x128xf32, #tpu.memory_space<hbm>>
    %dma_start3A_34 = tpu.memref_squeeze %dma_start3A_33 : memref<1x199x128xf32, #tpu.memory_space<hbm>> -> memref<199x128xf32, #tpu.memory_space<hbm>>
    %dma_start3A_35 = arith.constant 1 : i32
    %dma_start3A_36 = arith.constant 0 : i32
    %dma_start3A_37 = tpu.memref_slice %arg5[%dma_start3A_35, %dma_start3A_36] : memref<200x128xf32, #tpu.memory_space<vmem_shared>> -> memref<199x128xf32, #tpu.memory_space<vmem_shared>>
    tpu.enqueue_dma source(%dma_start3A_37 : memref<199x128xf32, #tpu.memory_space<vmem_shared>>) target(%dma_start3A_34 : memref<199x128xf32, #tpu.memory_space<hbm>>) target_semaphore(%arg7 : memref<!tpu.dma_semaphore, #tpu.memory_space<semaphore_mem>>)
    %add3A_38 = arith.constant 3 : i32
    %add3A_39 = arith.addi %mul3A_2, %add3A_38 : i32
    %dma_start3A_40 = arith.constant 1 : i32
    %dma_start3A_41 = arith.constant 0 : i32
    %dma_start3A_42 = tpu.memref_slice %arg4[%add3A_39, %dma_start3A_40, %dma_start3A_41] : memref<1024x200x128xf32, #tpu.memory_space<hbm>> -> memref<1x199x128xf32, #tpu.memory_space<hbm>>
    %dma_start3A_43 = tpu.memref_squeeze %dma_start3A_42 : memref<1x199x128xf32, #tpu.memory_space<hbm>> -> memref<199x128xf32, #tpu.memory_space<hbm>>
    %dma_start3A_44 = arith.constant 1 : i32
    %dma_start3A_45 = arith.constant 0 : i32
    %dma_start3A_46 = tpu.memref_slice %arg5[%dma_start3A_44, %dma_start3A_45] : memref<200x128xf32, #tpu.memory_space<vmem_shared>> -> memref<199x128xf32, #tpu.memory_space<vmem_shared>>
    tpu.enqueue_dma source(%dma_start3A_46 : memref<199x128xf32, #tpu.memory_space<vmem_shared>>) target(%dma_start3A_43 : memref<199x128xf32, #tpu.memory_space<hbm>>) target_semaphore(%arg7 : memref<!tpu.dma_semaphore, #tpu.memory_space<semaphore_mem>>)
    %add3A_47 = arith.constant 4 : i32
    %add3A_48 = arith.addi %mul3A_2, %add3A_47 : i32
    %dma_start3A_49 = arith.constant 1 : i32
    %dma_start3A_50 = arith.constant 0 : i32
    %dma_start3A_51 = tpu.memref_slice %arg4[%add3A_48, %dma_start3A_49, %dma_start3A_50] : memref<1024x200x128xf32, #tpu.memory_space<hbm>> -> memref<1x199x128xf32, #tpu.memory_space<hbm>>
    %dma_start3A_52 = tpu.memref_squeeze %dma_start3A_51 : memref<1x199x128xf32, #tpu.memory_space<hbm>> -> memref<199x128xf32, #tpu.memory_space<hbm>>
    %dma_start3A_53 = arith.constant 1 : i32
    %dma_start3A_54 = arith.constant 0 : i32
    %dma_start3A_55 = tpu.memref_slice %arg5[%dma_start3A_53, %dma_start3A_54] : memref<200x128xf32, #tpu.memory_space<vmem_shared>> -> memref<199x128xf32, #tpu.memory_space<vmem_shared>>
    tpu.enqueue_dma source(%dma_start3A_55 : memref<199x128xf32, #tpu.memory_space<vmem_shared>>) target(%dma_start3A_52 : memref<199x128xf32, #tpu.memory_space<hbm>>) target_semaphore(%arg7 : memref<!tpu.dma_semaphore, #tpu.memory_space<semaphore_mem>>)
    %add3A_56 = arith.constant 5 : i32
    %add3A_57 = arith.addi %mul3A_2, %add3A_56 : i32
    %dma_start3A_58 = arith.constant 1 : i32
    %dma_start3A_59 = arith.constant 0 : i32
    %dma_start3A_60 = tpu.memref_slice %arg4[%add3A_57, %dma_start3A_58, %dma_start3A_59] : memref<1024x200x128xf32, #tpu.memory_space<hbm>> -> memref<1x199x128xf32, #tpu.memory_space<hbm>>
    %dma_start3A_61 = tpu.memref_squeeze %dma_start3A_60 : memref<1x199x128xf32, #tpu.memory_space<hbm>> -> memref<199x128xf32, #tpu.memory_space<hbm>>
    %dma_start3A_62 = arith.constant 1 : i32
    %dma_start3A_63 = arith.constant 0 : i32
    %dma_start3A_64 = tpu.memref_slice %arg5[%dma_start3A_62, %dma_start3A_63] : memref<200x128xf32, #tpu.memory_space<vmem_shared>> -> memref<199x128xf32, #tpu.memory_space<vmem_shared>>
    tpu.enqueue_dma source(%dma_start3A_64 : memref<199x128xf32, #tpu.memory_space<vmem_shared>>) target(%dma_start3A_61 : memref<199x128xf32, #tpu.memory_space<hbm>>) target_semaphore(%arg7 : memref<!tpu.dma_semaphore, #tpu.memory_space<semaphore_mem>>)
    %add3A_65 = arith.constant 6 : i32
    %add3A_66 = arith.addi %mul3A_2, %add3A_65 : i32
    %dma_start3A_67 = arith.constant 1 : i32
    %dma_start3A_68 = arith.constant 0 : i32
    %dma_start3A_69 = tpu.memref_slice %arg4[%add3A_66, %dma_start3A_67, %dma_start3A_68] : memref<1024x200x128xf32, #tpu.memory_space<hbm>> -> memref<1x199x128xf32, #tpu.memory_space<hbm>>
    %dma_start3A_70 = tpu.memref_squeeze %dma_start3A_69 : memref<1x199x128xf32, #tpu.memory_space<hbm>> -> memref<199x128xf32, #tpu.memory_space<hbm>>
    %dma_start3A_71 = arith.constant 1 : i32
    %dma_start3A_72 = arith.constant 0 : i32
    %dma_start3A_73 = tpu.memref_slice %arg5[%dma_start3A_71, %dma_start3A_72] : memref<200x128xf32, #tpu.memory_space<vmem_shared>> -> memref<199x128xf32, #tpu.memory_space<vmem_shared>>
    tpu.enqueue_dma source(%dma_start3A_73 : memref<199x128xf32, #tpu.memory_space<vmem_shared>>) target(%dma_start3A_70 : memref<199x128xf32, #tpu.memory_space<hbm>>) target_semaphore(%arg7 : memref<!tpu.dma_semaphore, #tpu.memory_space<semaphore_mem>>)
    %add3A_74 = arith.constant 7 : i32
    %add3A_75 = arith.addi %mul3A_2, %add3A_74 : i32
    %dma_start3A_76 = arith.constant 1 : i32
    %dma_start3A_77 = arith.constant 0 : i32
    %dma_start3A_78 = tpu.memref_slice %arg4[%add3A_75, %dma_start3A_76, %dma_start3A_77] : memref<1024x200x128xf32, #tpu.memory_space<hbm>> -> memref<1x199x128xf32, #tpu.memory_space<hbm>>
    %dma_start3A_79 = tpu.memref_squeeze %dma_start3A_78 : memref<1x199x128xf32, #tpu.memory_space<hbm>> -> memref<199x128xf32, #tpu.memory_space<hbm>>
    %dma_start3A_80 = arith.constant 1 : i32
    %dma_start3A_81 = arith.constant 0 : i32
    %dma_start3A_82 = tpu.memref_slice %arg5[%dma_start3A_80, %dma_start3A_81] : memref<200x128xf32, #tpu.memory_space<vmem_shared>> -> memref<199x128xf32, #tpu.memory_space<vmem_shared>>
    tpu.enqueue_dma source(%dma_start3A_82 : memref<199x128xf32, #tpu.memory_space<vmem_shared>>) target(%dma_start3A_79 : memref<199x128xf32, #tpu.memory_space<hbm>>) target_semaphore(%arg7 : memref<!tpu.dma_semaphore, #tpu.memory_space<semaphore_mem>>)
    %add3A_83 = arith.constant 8 : i32
    %add3A_84 = arith.addi %mul3A_2, %add3A_83 : i32
    %dma_start3A_85 = arith.constant 1 : i32
    %dma_start3A_86 = arith.constant 0 : i32
    %dma_start3A_87 = tpu.memref_slice %arg4[%add3A_84, %dma_start3A_85, %dma_start3A_86] : memref<1024x200x128xf32, #tpu.memory_space<hbm>> -> memref<1x199x128xf32, #tpu.memory_space<hbm>>
    %dma_start3A_88 = tpu.memref_squeeze %dma_start3A_87 : memref<1x199x128xf32, #tpu.memory_space<hbm>> -> memref<199x128xf32, #tpu.memory_space<hbm>>
    %dma_start3A_89 = arith.constant 1 : i32
    %dma_start3A_90 = arith.constant 0 : i32
    %dma_start3A_91 = tpu.memref_slice %arg5[%dma_start3A_89, %dma_start3A_90] : memref<200x128xf32, #tpu.memory_space<vmem_shared>> -> memref<199x128xf32, #tpu.memory_space<vmem_shared>>
    tpu.enqueue_dma source(%dma_start3A_91 : memref<199x128xf32, #tpu.memory_space<vmem_shared>>) target(%dma_start3A_88 : memref<199x128xf32, #tpu.memory_space<hbm>>) target_semaphore(%arg7 : memref<!tpu.dma_semaphore, #tpu.memory_space<semaphore_mem>>)
    %add3A_92 = arith.constant 9 : i32
    %add3A_93 = arith.addi %mul3A_2, %add3A_92 : i32
    %dma_start3A_94 = arith.constant 1 : i32
    %dma_start3A_95 = arith.constant 0 : i32
    %dma_start3A_96 = tpu.memref_slice %arg4[%add3A_93, %dma_start3A_94, %dma_start3A_95] : memref<1024x200x128xf32, #tpu.memory_space<hbm>> -> memref<1x199x128xf32, #tpu.memory_space<hbm>>
    %dma_start3A_97 = tpu.memref_squeeze %dma_start3A_96 : memref<1x199x128xf32, #tpu.memory_space<hbm>> -> memref<199x128xf32, #tpu.memory_space<hbm>>
    %dma_start3A_98 = arith.constant 1 : i32
    %dma_start3A_99 = arith.constant 0 : i32
    %dma_start3A_100 = tpu.memref_slice %arg5[%dma_start3A_98, %dma_start3A_99] : memref<200x128xf32, #tpu.memory_space<vmem_shared>> -> memref<199x128xf32, #tpu.memory_space<vmem_shared>>
    tpu.enqueue_dma source(%dma_start3A_100 : memref<199x128xf32, #tpu.memory_space<vmem_shared>>) target(%dma_start3A_97 : memref<199x128xf32, #tpu.memory_space<hbm>>) target_semaphore(%arg7 : memref<!tpu.dma_semaphore, #tpu.memory_space<semaphore_mem>>)
    %add3A_101 = arith.constant 10 : i32
    %add3A_102 = arith.addi %mul3A_2, %add3A_101 : i32
    %dma_start3A_103 = arith.constant 1 : i32
    %dma_start3A_104 = arith.constant 0 : i32
    %dma_start3A_105 = tpu.memref_slice %arg4[%add3A_102, %dma_start3A_103, %dma_start3A_104] : memref<1024x200x128xf32, #tpu.memory_space<hbm>> -> memref<1x199x128xf32, #tpu.memory_space<hbm>>
    %dma_start3A_106 = tpu.memref_squeeze %dma_start3A_105 : memref<1x199x128xf32, #tpu.memory_space<hbm>> -> memref<199x128xf32, #tpu.memory_space<hbm>>
    %dma_start3A_107 = arith.constant 1 : i32
    %dma_start3A_108 = arith.constant 0 : i32
    %dma_start3A_109 = tpu.memref_slice %arg5[%dma_start3A_107, %dma_start3A_108] : memref<200x128xf32, #tpu.memory_space<vmem_shared>> -> memref<199x128xf32, #tpu.memory_space<vmem_shared>>
    tpu.enqueue_dma source(%dma_start3A_109 : memref<199x128xf32, #tpu.memory_space<vmem_shared>>) target(%dma_start3A_106 : memref<199x128xf32, #tpu.memory_space<hbm>>) target_semaphore(%arg7 : memref<!tpu.dma_semaphore, #tpu.memory_space<semaphore_mem>>)
    %add3A_110 = arith.constant 11 : i32
    %add3A_111 = arith.addi %mul3A_2, %add3A_110 : i32
    %dma_start3A_112 = arith.constant 1 : i32
    %dma_start3A_113 = arith.constant 0 : i32
    %dma_start3A_114 = tpu.memref_slice %arg4[%add3A_111, %dma_start3A_112, %dma_start3A_113] : memref<1024x200x128xf32, #tpu.memory_space<hbm>> -> memref<1x199x128xf32, #tpu.memory_space<hbm>>
    %dma_start3A_115 = tpu.memref_squeeze %dma_start3A_114 : memref<1x199x128xf32, #tpu.memory_space<hbm>> -> memref<199x128xf32, #tpu.memory_space<hbm>>
    %dma_start3A_116 = arith.constant 1 : i32
    %dma_start3A_117 = arith.constant 0 : i32
    %dma_start3A_118 = tpu.memref_slice %arg5[%dma_start3A_116, %dma_start3A_117] : memref<200x128xf32, #tpu.memory_space<vmem_shared>> -> memref<199x128xf32, #tpu.memory_space<vmem_shared>>
    tpu.enqueue_dma source(%dma_start3A_118 : memref<199x128xf32, #tpu.memory_space<vmem_shared>>) target(%dma_start3A_115 : memref<199x128xf32, #tpu.memory_space<hbm>>) target_semaphore(%arg7 : memref<!tpu.dma_semaphore, #tpu.memory_space<semaphore_mem>>)
    %add3A_119 = arith.constant 12 : i32
    %add3A_120 = arith.addi %mul3A_2, %add3A_119 : i32
    %dma_start3A_121 = arith.constant 1 : i32
    %dma_start3A_122 = arith.constant 0 : i32
    %dma_start3A_123 = tpu.memref_slice %arg4[%add3A_120, %dma_start3A_121, %dma_start3A_122] : memref<1024x200x128xf32, #tpu.memory_space<hbm>> -> memref<1x199x128xf32, #tpu.memory_space<hbm>>
    %dma_start3A_124 = tpu.memref_squeeze %dma_start3A_123 : memref<1x199x128xf32, #tpu.memory_space<hbm>> -> memref<199x128xf32, #tpu.memory_space<hbm>>
    %dma_start3A_125 = arith.constant 1 : i32
    %dma_start3A_126 = arith.constant 0 : i32
    %dma_start3A_127 = tpu.memref_slice %arg5[%dma_start3A_125, %dma_start3A_126] : memref<200x128xf32, #tpu.memory_space<vmem_shared>> -> memref<199x128xf32, #tpu.memory_space<vmem_shared>>
    tpu.enqueue_dma source(%dma_start3A_127 : memref<199x128xf32, #tpu.memory_space<vmem_shared>>) target(%dma_start3A_124 : memref<199x128xf32, #tpu.memory_space<hbm>>) target_semaphore(%arg7 : memref<!tpu.dma_semaphore, #tpu.memory_space<semaphore_mem>>)
    %add3A_128 = arith.constant 13 : i32
    %add3A_129 = arith.addi %mul3A_2, %add3A_128 : i32
    %dma_start3A_130 = arith.constant 1 : i32
    %dma_start3A_131 = arith.constant 0 : i32
    %dma_start3A_132 = tpu.memref_slice %arg4[%add3A_129, %dma_start3A_130, %dma_start3A_131] : memref<1024x200x128xf32, #tpu.memory_space<hbm>> -> memref<1x199x128xf32, #tpu.memory_space<hbm>>
    %dma_start3A_133 = tpu.memref_squeeze %dma_start3A_132 : memref<1x199x128xf32, #tpu.memory_space<hbm>> -> memref<199x128xf32, #tpu.memory_space<hbm>>
    %dma_start3A_134 = arith.constant 1 : i32
    %dma_start3A_135 = arith.constant 0 : i32
    %dma_start3A_136 = tpu.memref_slice %arg5[%dma_start3A_134, %dma_start3A_135] : memref<200x128xf32, #tpu.memory_space<vmem_shared>> -> memref<199x128xf32, #tpu.memory_space<vmem_shared>>
    tpu.enqueue_dma source(%dma_start3A_136 : memref<199x128xf32, #tpu.memory_space<vmem_shared>>) target(%dma_start3A_133 : memref<199x128xf32, #tpu.memory_space<hbm>>) target_semaphore(%arg7 : memref<!tpu.dma_semaphore, #tpu.memory_space<semaphore_mem>>)
    %add3A_137 = arith.constant 14 : i32
    %add3A_138 = arith.addi %mul3A_2, %add3A_137 : i32
    %dma_start3A_139 = arith.constant 1 : i32
    %dma_start3A_140 = arith.constant 0 : i32
    %dma_start3A_141 = tpu.memref_slice %arg4[%add3A_138, %dma_start3A_139, %dma_start3A_140] : memref<1024x200x128xf32, #tpu.memory_space<hbm>> -> memref<1x199x128xf32, #tpu.memory_space<hbm>>
    %dma_start3A_142 = tpu.memref_squeeze %dma_start3A_141 : memref<1x199x128xf32, #tpu.memory_space<hbm>> -> memref<199x128xf32, #tpu.memory_space<hbm>>
    %dma_start3A_143 = arith.constant 1 : i32
    %dma_start3A_144 = arith.constant 0 : i32
    %dma_start3A_145 = tpu.memref_slice %arg5[%dma_start3A_143, %dma_start3A_144] : memref<200x128xf32, #tpu.memory_space<vmem_shared>> -> memref<199x128xf32, #tpu.memory_space<vmem_shared>>
    tpu.enqueue_dma source(%dma_start3A_145 : memref<199x128xf32, #tpu.memory_space<vmem_shared>>) target(%dma_start3A_142 : memref<199x128xf32, #tpu.memory_space<hbm>>) target_semaphore(%arg7 : memref<!tpu.dma_semaphore, #tpu.memory_space<semaphore_mem>>)
    %add3A_146 = arith.constant 15 : i32
    %add3A_147 = arith.addi %mul3A_2, %add3A_146 : i32
    %dma_start3A_148 = arith.constant 1 : i32
    %dma_start3A_149 = arith.constant 0 : i32
    %dma_start3A_150 = tpu.memref_slice %arg4[%add3A_147, %dma_start3A_148, %dma_start3A_149] : memref<1024x200x128xf32, #tpu.memory_space<hbm>> -> memref<1x199x128xf32, #tpu.memory_space<hbm>>
    %dma_start3A_151 = tpu.memref_squeeze %dma_start3A_150 : memref<1x199x128xf32, #tpu.memory_space<hbm>> -> memref<199x128xf32, #tpu.memory_space<hbm>>
    %dma_start3A_152 = arith.constant 1 : i32
    %dma_start3A_153 = arith.constant 0 : i32
    %dma_start3A_154 = tpu.memref_slice %arg5[%dma_start3A_152, %dma_start3A_153] : memref<200x128xf32, #tpu.memory_space<vmem_shared>> -> memref<199x128xf32, #tpu.memory_space<vmem_shared>>
    tpu.enqueue_dma source(%dma_start3A_154 : memref<199x128xf32, #tpu.memory_space<vmem_shared>>) target(%dma_start3A_151 : memref<199x128xf32, #tpu.memory_space<hbm>>) target_semaphore(%arg7 : memref<!tpu.dma_semaphore, #tpu.memory_space<semaphore_mem>>)
    %add3A_155 = arith.constant 16 : i32
    %add3A_156 = arith.addi %mul3A_2, %add3A_155 : i32
    %dma_start3A_157 = arith.constant 1 : i32
    %dma_start3A_158 = arith.constant 0 : i32
    %dma_start3A_159 = tpu.memref_slice %arg4[%add3A_156, %dma_start3A_157, %dma_start3A_158] : memref<1024x200x128xf32, #tpu.memory_space<hbm>> -> memref<1x199x128xf32, #tpu.memory_space<hbm>>
    %dma_start3A_160 = tpu.memref_squeeze %dma_start3A_159 : memref<1x199x128xf32, #tpu.memory_space<hbm>> -> memref<199x128xf32, #tpu.memory_space<hbm>>
    %dma_start3A_161 = arith.constant 1 : i32
    %dma_start3A_162 = arith.constant 0 : i32
    %dma_start3A_163 = tpu.memref_slice %arg5[%dma_start3A_161, %dma_start3A_162] : memref<200x128xf32, #tpu.memory_space<vmem_shared>> -> memref<199x128xf32, #tpu.memory_space<vmem_shared>>
    tpu.enqueue_dma source(%dma_start3A_163 : memref<199x128xf32, #tpu.memory_space<vmem_shared>>) target(%dma_start3A_160 : memref<199x128xf32, #tpu.memory_space<hbm>>) target_semaphore(%arg7 : memref<!tpu.dma_semaphore, #tpu.memory_space<semaphore_mem>>)
    %add3A_164 = arith.constant 17 : i32
    %add3A_165 = arith.addi %mul3A_2, %add3A_164 : i32
    %dma_start3A_166 = arith.constant 1 : i32
    %dma_start3A_167 = arith.constant 0 : i32
    %dma_start3A_168 = tpu.memref_slice %arg4[%add3A_165, %dma_start3A_166, %dma_start3A_167] : memref<1024x200x128xf32, #tpu.memory_space<hbm>> -> memref<1x199x128xf32, #tpu.memory_space<hbm>>
    %dma_start3A_169 = tpu.memref_squeeze %dma_start3A_168 : memref<1x199x128xf32, #tpu.memory_space<hbm>> -> memref<199x128xf32, #tpu.memory_space<hbm>>
    %dma_start3A_170 = arith.constant 1 : i32
    %dma_start3A_171 = arith.constant 0 : i32
    %dma_start3A_172 = tpu.memref_slice %arg5[%dma_start3A_170, %dma_start3A_171] : memref<200x128xf32, #tpu.memory_space<vmem_shared>> -> memref<199x128xf32, #tpu.memory_space<vmem_shared>>
    tpu.enqueue_dma source(%dma_start3A_172 : memref<199x128xf32, #tpu.memory_space<vmem_shared>>) target(%dma_start3A_169 : memref<199x128xf32, #tpu.memory_space<hbm>>) target_semaphore(%arg7 : memref<!tpu.dma_semaphore, #tpu.memory_space<semaphore_mem>>)
    %add3A_173 = arith.constant 18 : i32
    %add3A_174 = arith.addi %mul3A_2, %add3A_173 : i32
    %dma_start3A_175 = arith.constant 1 : i32
    %dma_start3A_176 = arith.constant 0 : i32
    %dma_start3A_177 = tpu.memref_slice %arg4[%add3A_174, %dma_start3A_175, %dma_start3A_176] : memref<1024x200x128xf32, #tpu.memory_space<hbm>> -> memref<1x199x128xf32, #tpu.memory_space<hbm>>
    %dma_start3A_178 = tpu.memref_squeeze %dma_start3A_177 : memref<1x199x128xf32, #tpu.memory_space<hbm>> -> memref<199x128xf32, #tpu.memory_space<hbm>>
    %dma_start3A_179 = arith.constant 1 : i32
    %dma_start3A_180 = arith.constant 0 : i32
    %dma_start3A_181 = tpu.memref_slice %arg5[%dma_start3A_179, %dma_start3A_180] : memref<200x128xf32, #tpu.memory_space<vmem_shared>> -> memref<199x128xf32, #tpu.memory_space<vmem_shared>>
    tpu.enqueue_dma source(%dma_start3A_181 : memref<199x128xf32, #tpu.memory_space<vmem_shared>>) target(%dma_start3A_178 : memref<199x128xf32, #tpu.memory_space<hbm>>) target_semaphore(%arg7 : memref<!tpu.dma_semaphore, #tpu.memory_space<semaphore_mem>>)
    %add3A_182 = arith.constant 19 : i32
    %add3A_183 = arith.addi %mul3A_2, %add3A_182 : i32
    %dma_start3A_184 = arith.constant 1 : i32
    %dma_start3A_185 = arith.constant 0 : i32
    %dma_start3A_186 = tpu.memref_slice %arg4[%add3A_183, %dma_start3A_184, %dma_start3A_185] : memref<1024x200x128xf32, #tpu.memory_space<hbm>> -> memref<1x199x128xf32, #tpu.memory_space<hbm>>
    %dma_start3A_187 = tpu.memref_squeeze %dma_start3A_186 : memref<1x199x128xf32, #tpu.memory_space<hbm>> -> memref<199x128xf32, #tpu.memory_space<hbm>>
    %dma_start3A_188 = arith.constant 1 : i32
    %dma_start3A_189 = arith.constant 0 : i32
    %dma_start3A_190 = tpu.memref_slice %arg5[%dma_start3A_188, %dma_start3A_189] : memref<200x128xf32, #tpu.memory_space<vmem_shared>> -> memref<199x128xf32, #tpu.memory_space<vmem_shared>>
    tpu.enqueue_dma source(%dma_start3A_190 : memref<199x128xf32, #tpu.memory_space<vmem_shared>>) target(%dma_start3A_187 : memref<199x128xf32, #tpu.memory_space<hbm>>) target_semaphore(%arg7 : memref<!tpu.dma_semaphore, #tpu.memory_space<semaphore_mem>>)
    %add3A_191 = arith.constant 20 : i32
    %add3A_192 = arith.addi %mul3A_2, %add3A_191 : i32
    %dma_start3A_193 = arith.constant 1 : i32
    %dma_start3A_194 = arith.constant 0 : i32
    %dma_start3A_195 = tpu.memref_slice %arg4[%add3A_192, %dma_start3A_193, %dma_start3A_194] : memref<1024x200x128xf32, #tpu.memory_space<hbm>> -> memref<1x199x128xf32, #tpu.memory_space<hbm>>
    %dma_start3A_196 = tpu.memref_squeeze %dma_start3A_195 : memref<1x199x128xf32, #tpu.memory_space<hbm>> -> memref<199x128xf32, #tpu.memory_space<hbm>>
    %dma_start3A_197 = arith.constant 1 : i32
    %dma_start3A_198 = arith.constant 0 : i32
    %dma_start3A_199 = tpu.memref_slice %arg5[%dma_start3A_197, %dma_start3A_198] : memref<200x128xf32, #tpu.memory_space<vmem_shared>> -> memref<199x128xf32, #tpu.memory_space<vmem_shared>>
    tpu.enqueue_dma source(%dma_start3A_199 : memref<199x128xf32, #tpu.memory_space<vmem_shared>>) target(%dma_start3A_196 : memref<199x128xf32, #tpu.memory_space<hbm>>) target_semaphore(%arg7 : memref<!tpu.dma_semaphore, #tpu.memory_space<semaphore_mem>>)
    %add3A_200 = arith.constant 21 : i32
    %add3A_201 = arith.addi %mul3A_2, %add3A_200 : i32
    %dma_start3A_202 = arith.constant 1 : i32
    %dma_start3A_203 = arith.constant 0 : i32
    %dma_start3A_204 = tpu.memref_slice %arg4[%add3A_201, %dma_start3A_202, %dma_start3A_203] : memref<1024x200x128xf32, #tpu.memory_space<hbm>> -> memref<1x199x128xf32, #tpu.memory_space<hbm>>
    %dma_start3A_205 = tpu.memref_squeeze %dma_start3A_204 : memref<1x199x128xf32, #tpu.memory_space<hbm>> -> memref<199x128xf32, #tpu.memory_space<hbm>>
    %dma_start3A_206 = arith.constant 1 : i32
    %dma_start3A_207 = arith.constant 0 : i32
    %dma_start3A_208 = tpu.memref_slice %arg5[%dma_start3A_206, %dma_start3A_207] : memref<200x128xf32, #tpu.memory_space<vmem_shared>> -> memref<199x128xf32, #tpu.memory_space<vmem_shared>>
    tpu.enqueue_dma source(%dma_start3A_208 : memref<199x128xf32, #tpu.memory_space<vmem_shared>>) target(%dma_start3A_205 : memref<199x128xf32, #tpu.memory_space<hbm>>) target_semaphore(%arg7 : memref<!tpu.dma_semaphore, #tpu.memory_space<semaphore_mem>>)
    %add3A_209 = arith.constant 22 : i32
    %add3A_210 = arith.addi %mul3A_2, %add3A_209 : i32
    %dma_start3A_211 = arith.constant 1 : i32
    %dma_start3A_212 = arith.constant 0 : i32
    %dma_start3A_213 = tpu.memref_slice %arg4[%add3A_210, %dma_start3A_211, %dma_start3A_212] : memref<1024x200x128xf32, #tpu.memory_space<hbm>> -> memref<1x199x128xf32, #tpu.memory_space<hbm>>
    %dma_start3A_214 = tpu.memref_squeeze %dma_start3A_213 : memref<1x199x128xf32, #tpu.memory_space<hbm>> -> memref<199x128xf32, #tpu.memory_space<hbm>>
    %dma_start3A_215 = arith.constant 1 : i32
    %dma_start3A_216 = arith.constant 0 : i32
    %dma_start3A_217 = tpu.memref_slice %arg5[%dma_start3A_215, %dma_start3A_216] : memref<200x128xf32, #tpu.memory_space<vmem_shared>> -> memref<199x128xf32, #tpu.memory_space<vmem_shared>>
    tpu.enqueue_dma source(%dma_start3A_217 : memref<199x128xf32, #tpu.memory_space<vmem_shared>>) target(%dma_start3A_214 : memref<199x128xf32, #tpu.memory_space<hbm>>) target_semaphore(%arg7 : memref<!tpu.dma_semaphore, #tpu.memory_space<semaphore_mem>>)
    %add3A_218 = arith.constant 23 : i32
    %add3A_219 = arith.addi %mul3A_2, %add3A_218 : i32
    %dma_start3A_220 = arith.constant 1 : i32
    %dma_start3A_221 = arith.constant 0 : i32
    %dma_start3A_222 = tpu.memref_slice %arg4[%add3A_219, %dma_start3A_220, %dma_start3A_221] : memref<1024x200x128xf32, #tpu.memory_space<hbm>> -> memref<1x199x128xf32, #tpu.memory_space<hbm>>
    %dma_start3A_223 = tpu.memref_squeeze %dma_start3A_222 : memref<1x199x128xf32, #tpu.memory_space<hbm>> -> memref<199x128xf32, #tpu.memory_space<hbm>>
    %dma_start3A_224 = arith.constant 1 : i32
    %dma_start3A_225 = arith.constant 0 : i32
    %dma_start3A_226 = tpu.memref_slice %arg5[%dma_start3A_224, %dma_start3A_225] : memref<200x128xf32, #tpu.memory_space<vmem_shared>> -> memref<199x128xf32, #tpu.memory_space<vmem_shared>>
    tpu.enqueue_dma source(%dma_start3A_226 : memref<199x128xf32, #tpu.memory_space<vmem_shared>>) target(%dma_start3A_223 : memref<199x128xf32, #tpu.memory_space<hbm>>) target_semaphore(%arg7 : memref<!tpu.dma_semaphore, #tpu.memory_space<semaphore_mem>>)
    %add3A_227 = arith.constant 24 : i32
    %add3A_228 = arith.addi %mul3A_2, %add3A_227 : i32
    %dma_start3A_229 = arith.constant 1 : i32
    %dma_start3A_230 = arith.constant 0 : i32
    %dma_start3A_231 = tpu.memref_slice %arg4[%add3A_228, %dma_start3A_229, %dma_start3A_230] : memref<1024x200x128xf32, #tpu.memory_space<hbm>> -> memref<1x199x128xf32, #tpu.memory_space<hbm>>
    %dma_start3A_232 = tpu.memref_squeeze %dma_start3A_231 : memref<1x199x128xf32, #tpu.memory_space<hbm>> -> memref<199x128xf32, #tpu.memory_space<hbm>>
    %dma_start3A_233 = arith.constant 1 : i32
    %dma_start3A_234 = arith.constant 0 : i32
    %dma_start3A_235 = tpu.memref_slice %arg5[%dma_start3A_233, %dma_start3A_234] : memref<200x128xf32, #tpu.memory_space<vmem_shared>> -> memref<199x128xf32, #tpu.memory_space<vmem_shared>>
    tpu.enqueue_dma source(%dma_start3A_235 : memref<199x128xf32, #tpu.memory_space<vmem_shared>>) target(%dma_start3A_232 : memref<199x128xf32, #tpu.memory_space<hbm>>) target_semaphore(%arg7 : memref<!tpu.dma_semaphore, #tpu.memory_space<semaphore_mem>>)
    %add3A_236 = arith.constant 25 : i32
    %add3A_237 = arith.addi %mul3A_2, %add3A_236 : i32
    %dma_start3A_238 = arith.constant 1 : i32
    %dma_start3A_239 = arith.constant 0 : i32
    %dma_start3A_240 = tpu.memref_slice %arg4[%add3A_237, %dma_start3A_238, %dma_start3A_239] : memref<1024x200x128xf32, #tpu.memory_space<hbm>> -> memref<1x199x128xf32, #tpu.memory_space<hbm>>
    %dma_start3A_241 = tpu.memref_squeeze %dma_start3A_240 : memref<1x199x128xf32, #tpu.memory_space<hbm>> -> memref<199x128xf32, #tpu.memory_space<hbm>>
    %dma_start3A_242 = arith.constant 1 : i32
    %dma_start3A_243 = arith.constant 0 : i32
    %dma_start3A_244 = tpu.memref_slice %arg5[%dma_start3A_242, %dma_start3A_243] : memref<200x128xf32, #tpu.memory_space<vmem_shared>> -> memref<199x128xf32, #tpu.memory_space<vmem_shared>>
    tpu.enqueue_dma source(%dma_start3A_244 : memref<199x128xf32, #tpu.memory_space<vmem_shared>>) target(%dma_start3A_241 : memref<199x128xf32, #tpu.memory_space<hbm>>) target_semaphore(%arg7 : memref<!tpu.dma_semaphore, #tpu.memory_space<semaphore_mem>>)
    %add3A_245 = arith.constant 26 : i32
    %add3A_246 = arith.addi %mul3A_2, %add3A_245 : i32
    %dma_start3A_247 = arith.constant 1 : i32
    %dma_start3A_248 = arith.constant 0 : i32
    %dma_start3A_249 = tpu.memref_slice %arg4[%add3A_246, %dma_start3A_247, %dma_start3A_248] : memref<1024x200x128xf32, #tpu.memory_space<hbm>> -> memref<1x199x128xf32, #tpu.memory_space<hbm>>
    %dma_start3A_250 = tpu.memref_squeeze %dma_start3A_249 : memref<1x199x128xf32, #tpu.memory_space<hbm>> -> memref<199x128xf32, #tpu.memory_space<hbm>>
    %dma_start3A_251 = arith.constant 1 : i32
    %dma_start3A_252 = arith.constant 0 : i32
    %dma_start3A_253 = tpu.memref_slice %arg5[%dma_start3A_251, %dma_start3A_252] : memref<200x128xf32, #tpu.memory_space<vmem_shared>> -> memref<199x128xf32, #tpu.memory_space<vmem_shared>>
    tpu.enqueue_dma source(%dma_start3A_253 : memref<199x128xf32, #tpu.memory_space<vmem_shared>>) target(%dma_start3A_250 : memref<199x128xf32, #tpu.memory_space<hbm>>) target_semaphore(%arg7 : memref<!tpu.dma_semaphore, #tpu.memory_space<semaphore_mem>>)
    %add3A_254 = arith.constant 27 : i32
    %add3A_255 = arith.addi %mul3A_2, %add3A_254 : i32
    %dma_start3A_256 = arith.constant 1 : i32
    %dma_start3A_257 = arith.constant 0 : i32
    %dma_start3A_258 = tpu.memref_slice %arg4[%add3A_255, %dma_start3A_256, %dma_start3A_257] : memref<1024x200x128xf32, #tpu.memory_space<hbm>> -> memref<1x199x128xf32, #tpu.memory_space<hbm>>
    %dma_start3A_259 = tpu.memref_squeeze %dma_start3A_258 : memref<1x199x128xf32, #tpu.memory_space<hbm>> -> memref<199x128xf32, #tpu.memory_space<hbm>>
    %dma_start3A_260 = arith.constant 1 : i32
    %dma_start3A_261 = arith.constant 0 : i32
    %dma_start3A_262 = tpu.memref_slice %arg5[%dma_start3A_260, %dma_start3A_261] : memref<200x128xf32, #tpu.memory_space<vmem_shared>> -> memref<199x128xf32, #tpu.memory_space<vmem_shared>>
    tpu.enqueue_dma source(%dma_start3A_262 : memref<199x128xf32, #tpu.memory_space<vmem_shared>>) target(%dma_start3A_259 : memref<199x128xf32, #tpu.memory_space<hbm>>) target_semaphore(%arg7 : memref<!tpu.dma_semaphore, #tpu.memory_space<semaphore_mem>>)
    %add3A_263 = arith.constant 28 : i32
    %add3A_264 = arith.addi %mul3A_2, %add3A_263 : i32
    %dma_start3A_265 = arith.constant 1 : i32
    %dma_start3A_266 = arith.constant 0 : i32
    %dma_start3A_267 = tpu.memref_slice %arg4[%add3A_264, %dma_start3A_265, %dma_start3A_266] : memref<1024x200x128xf32, #tpu.memory_space<hbm>> -> memref<1x199x128xf32, #tpu.memory_space<hbm>>
    %dma_start3A_268 = tpu.memref_squeeze %dma_start3A_267 : memref<1x199x128xf32, #tpu.memory_space<hbm>> -> memref<199x128xf32, #tpu.memory_space<hbm>>
    %dma_start3A_269 = arith.constant 1 : i32
    %dma_start3A_270 = arith.constant 0 : i32
    %dma_start3A_271 = tpu.memref_slice %arg5[%dma_start3A_269, %dma_start3A_270] : memref<200x128xf32, #tpu.memory_space<vmem_shared>> -> memref<199x128xf32, #tpu.memory_space<vmem_shared>>
    tpu.enqueue_dma source(%dma_start3A_271 : memref<199x128xf32, #tpu.memory_space<vmem_shared>>) target(%dma_start3A_268 : memref<199x128xf32, #tpu.memory_space<hbm>>) target_semaphore(%arg7 : memref<!tpu.dma_semaphore, #tpu.memory_space<semaphore_mem>>)
    %add3A_272 = arith.constant 29 : i32
    %add3A_273 = arith.addi %mul3A_2, %add3A_272 : i32
    %dma_start3A_274 = arith.constant 1 : i32
    %dma_start3A_275 = arith.constant 0 : i32
    %dma_start3A_276 = tpu.memref_slice %arg4[%add3A_273, %dma_start3A_274, %dma_start3A_275] : memref<1024x200x128xf32, #tpu.memory_space<hbm>> -> memref<1x199x128xf32, #tpu.memory_space<hbm>>
    %dma_start3A_277 = tpu.memref_squeeze %dma_start3A_276 : memref<1x199x128xf32, #tpu.memory_space<hbm>> -> memref<199x128xf32, #tpu.memory_space<hbm>>
    %dma_start3A_278 = arith.constant 1 : i32
    %dma_start3A_279 = arith.constant 0 : i32
    %dma_start3A_280 = tpu.memref_slice %arg5[%dma_start3A_278, %dma_start3A_279] : memref<200x128xf32, #tpu.memory_space<vmem_shared>> -> memref<199x128xf32, #tpu.memory_space<vmem_shared>>
    tpu.enqueue_dma source(%dma_start3A_280 : memref<199x128xf32, #tpu.memory_space<vmem_shared>>) target(%dma_start3A_277 : memref<199x128xf32, #tpu.memory_space<hbm>>) target_semaphore(%arg7 : memref<!tpu.dma_semaphore, #tpu.memory_space<semaphore_mem>>)
    %add3A_281 = arith.constant 30 : i32
    %add3A_282 = arith.addi %mul3A_2, %add3A_281 : i32
    %dma_start3A_283 = arith.constant 1 : i32
    %dma_start3A_284 = arith.constant 0 : i32
    %dma_start3A_285 = tpu.memref_slice %arg4[%add3A_282, %dma_start3A_283, %dma_start3A_284] : memref<1024x200x128xf32, #tpu.memory_space<hbm>> -> memref<1x199x128xf32, #tpu.memory_space<hbm>>
    %dma_start3A_286 = tpu.memref_squeeze %dma_start3A_285 : memref<1x199x128xf32, #tpu.memory_space<hbm>> -> memref<199x128xf32, #tpu.memory_space<hbm>>
    %dma_start3A_287 = arith.constant 1 : i32
    %dma_start3A_288 = arith.constant 0 : i32
    %dma_start3A_289 = tpu.memref_slice %arg5[%dma_start3A_287, %dma_start3A_288] : memref<200x128xf32, #tpu.memory_space<vmem_shared>> -> memref<199x128xf32, #tpu.memory_space<vmem_shared>>
    tpu.enqueue_dma source(%dma_start3A_289 : memref<199x128xf32, #tpu.memory_space<vmem_shared>>) target(%dma_start3A_286 : memref<199x128xf32, #tpu.memory_space<hbm>>) target_semaphore(%arg7 : memref<!tpu.dma_semaphore, #tpu.memory_space<semaphore_mem>>)
    %add3A_290 = arith.constant 31 : i32
    %add3A_291 = arith.addi %mul3A_2, %add3A_290 : i32
    %dma_start3A_292 = arith.constant 1 : i32
    %dma_start3A_293 = arith.constant 0 : i32
    %dma_start3A_294 = tpu.memref_slice %arg4[%add3A_291, %dma_start3A_292, %dma_start3A_293] : memref<1024x200x128xf32, #tpu.memory_space<hbm>> -> memref<1x199x128xf32, #tpu.memory_space<hbm>>
    %dma_start3A_295 = tpu.memref_squeeze %dma_start3A_294 : memref<1x199x128xf32, #tpu.memory_space<hbm>> -> memref<199x128xf32, #tpu.memory_space<hbm>>
    %dma_start3A_296 = arith.constant 1 : i32
    %dma_start3A_297 = arith.constant 0 : i32
    %dma_start3A_298 = tpu.memref_slice %arg5[%dma_start3A_296, %dma_start3A_297] : memref<200x128xf32, #tpu.memory_space<vmem_shared>> -> memref<199x128xf32, #tpu.memory_space<vmem_shared>>
    tpu.enqueue_dma source(%dma_start3A_298 : memref<199x128xf32, #tpu.memory_space<vmem_shared>>) target(%dma_start3A_295 : memref<199x128xf32, #tpu.memory_space<hbm>>) target_semaphore(%arg7 : memref<!tpu.dma_semaphore, #tpu.memory_space<semaphore_mem>>)
    %dma_wait3A = arith.constant 0 : i32
    %dma_wait3A_299 = arith.constant 0 : i32
    %dma_wait3A_300 = tpu.memref_slice %arg4[%mul3A_2, %dma_wait3A, %dma_wait3A_299] : memref<1024x200x128xf32, #tpu.memory_space<hbm>> -> memref<32x1x128xf32, #tpu.memory_space<hbm>>
    %dma_wait3A_301 = tpu.memref_squeeze %dma_wait3A_300 : memref<32x1x128xf32, #tpu.memory_space<hbm>> -> memref<32x128xf32, #tpu.memory_space<hbm>>
    %dma_wait3A_302 = arith.constant 0 : i32
    %dma_wait3A_303 = tpu.memref_slice %arg4[%mul3A_2, %dma_wait3A, %dma_wait3A_302] : memref<1024x200x128xf32, #tpu.memory_space<hbm>> -> memref<32x1x128xf32, #tpu.memory_space<hbm>>
    %dma_wait3A_304 = tpu.memref_squeeze %dma_wait3A_303 : memref<32x1x128xf32, #tpu.memory_space<hbm>> -> memref<32x128xf32, #tpu.memory_space<hbm>>
    tpu.wait_dma2 semaphore(%arg8 : memref<!tpu.dma_semaphore, #tpu.memory_space<semaphore_mem>>) src(%arg6 : memref<32x128xf32, #tpu.memory_space<vmem>>) dst(%dma_wait3A_304 : memref<32x128xf32, #tpu.memory_space<hbm>>)
    %dma_wait3A_305 = arith.constant 1 : i32
    %dma_wait3A_306 = arith.constant 0 : i32
    %dma_wait3A_307 = tpu.memref_slice %arg4[%add3A_12, %dma_wait3A_305, %dma_wait3A_306] : memref<1024x200x128xf32, #tpu.memory_space<hbm>> -> memref<1x199x128xf32, #tpu.memory_space<hbm>>
    %dma_wait3A_308 = tpu.memref_squeeze %dma_wait3A_307 : memref<1x199x128xf32, #tpu.memory_space<hbm>> -> memref<199x128xf32, #tpu.memory_space<hbm>>
    %dma_wait3A_309 = arith.constant 1 : i32
    %dma_wait3A_310 = arith.constant 0 : i32
    %dma_wait3A_311 = tpu.memref_slice %arg5[%dma_wait3A_309, %dma_wait3A_310] : memref<200x128xf32, #tpu.memory_space<vmem_shared>> -> memref<199x128xf32, #tpu.memory_space<vmem_shared>>
    tpu.wait_dma2 semaphore(%arg7 : memref<!tpu.dma_semaphore, #tpu.memory_space<semaphore_mem>>) src(%dma_wait3A_311 : memref<199x128xf32, #tpu.memory_space<vmem_shared>>) dst(%dma_wait3A_308 : memref<199x128xf32, #tpu.memory_space<hbm>>)
    %dma_wait3A_312 = arith.constant 1 : i32
    %dma_wait3A_313 = arith.constant 0 : i32
    %dma_wait3A_314 = tpu.memref_slice %arg4[%add3A_21, %dma_wait3A_312, %dma_wait3A_313] : memref<1024x200x128xf32, #tpu.memory_space<hbm>> -> memref<1x199x128xf32, #tpu.memory_space<hbm>>
    %dma_wait3A_315 = tpu.memref_squeeze %dma_wait3A_314 : memref<1x199x128xf32, #tpu.memory_space<hbm>> -> memref<199x128xf32, #tpu.memory_space<hbm>>
    %dma_wait3A_316 = arith.constant 1 : i32
    %dma_wait3A_317 = arith.constant 0 : i32
    %dma_wait3A_318 = tpu.memref_slice %arg5[%dma_wait3A_316, %dma_wait3A_317] : memref<200x128xf32, #tpu.memory_space<vmem_shared>> -> memref<199x128xf32, #tpu.memory_space<vmem_shared>>
    tpu.wait_dma2 semaphore(%arg7 : memref<!tpu.dma_semaphore, #tpu.memory_space<semaphore_mem>>) src(%dma_wait3A_318 : memref<199x128xf32, #tpu.memory_space<vmem_shared>>) dst(%dma_wait3A_315 : memref<199x128xf32, #tpu.memory_space<hbm>>)
    %dma_wait3A_319 = arith.constant 1 : i32
    %dma_wait3A_320 = arith.constant 0 : i32
    %dma_wait3A_321 = tpu.memref_slice %arg4[%add3A_30, %dma_wait3A_319, %dma_wait3A_320] : memref<1024x200x128xf32, #tpu.memory_space<hbm>> -> memref<1x199x128xf32, #tpu.memory_space<hbm>>
    %dma_wait3A_322 = tpu.memref_squeeze %dma_wait3A_321 : memref<1x199x128xf32, #tpu.memory_space<hbm>> -> memref<199x128xf32, #tpu.memory_space<hbm>>
    %dma_wait3A_323 = arith.constant 1 : i32
    %dma_wait3A_324 = arith.constant 0 : i32
    %dma_wait3A_325 = tpu.memref_slice %arg5[%dma_wait3A_323, %dma_wait3A_324] : memref<200x128xf32, #tpu.memory_space<vmem_shared>> -> memref<199x128xf32, #tpu.memory_space<vmem_shared>>
    tpu.wait_dma2 semaphore(%arg7 : memref<!tpu.dma_semaphore, #tpu.memory_space<semaphore_mem>>) src(%dma_wait3A_325 : memref<199x128xf32, #tpu.memory_space<vmem_shared>>) dst(%dma_wait3A_322 : memref<199x128xf32, #tpu.memory_space<hbm>>)
    %dma_wait3A_326 = arith.constant 1 : i32
    %dma_wait3A_327 = arith.constant 0 : i32
    %dma_wait3A_328 = tpu.memref_slice %arg4[%add3A_39, %dma_wait3A_326, %dma_wait3A_327] : memref<1024x200x128xf32, #tpu.memory_space<hbm>> -> memref<1x199x128xf32, #tpu.memory_space<hbm>>
    %dma_wait3A_329 = tpu.memref_squeeze %dma_wait3A_328 : memref<1x199x128xf32, #tpu.memory_space<hbm>> -> memref<199x128xf32, #tpu.memory_space<hbm>>
    %dma_wait3A_330 = arith.constant 1 : i32
    %dma_wait3A_331 = arith.constant 0 : i32
    %dma_wait3A_332 = tpu.memref_slice %arg5[%dma_wait3A_330, %dma_wait3A_331] : memref<200x128xf32, #tpu.memory_space<vmem_shared>> -> memref<199x128xf32, #tpu.memory_space<vmem_shared>>
    tpu.wait_dma2 semaphore(%arg7 : memref<!tpu.dma_semaphore, #tpu.memory_space<semaphore_mem>>) src(%dma_wait3A_332 : memref<199x128xf32, #tpu.memory_space<vmem_shared>>) dst(%dma_wait3A_329 : memref<199x128xf32, #tpu.memory_space<hbm>>)
    %dma_wait3A_333 = arith.constant 1 : i32
    %dma_wait3A_334 = arith.constant 0 : i32
    %dma_wait3A_335 = tpu.memref_slice %arg4[%add3A_48, %dma_wait3A_333, %dma_wait3A_334] : memref<1024x200x128xf32, #tpu.memory_space<hbm>> -> memref<1x199x128xf32, #tpu.memory_space<hbm>>
    %dma_wait3A_336 = tpu.memref_squeeze %dma_wait3A_335 : memref<1x199x128xf32, #tpu.memory_space<hbm>> -> memref<199x128xf32, #tpu.memory_space<hbm>>
    %dma_wait3A_337 = arith.constant 1 : i32
    %dma_wait3A_338 = arith.constant 0 : i32
    %dma_wait3A_339 = tpu.memref_slice %arg5[%dma_wait3A_337, %dma_wait3A_338] : memref<200x128xf32, #tpu.memory_space<vmem_shared>> -> memref<199x128xf32, #tpu.memory_space<vmem_shared>>
    tpu.wait_dma2 semaphore(%arg7 : memref<!tpu.dma_semaphore, #tpu.memory_space<semaphore_mem>>) src(%dma_wait3A_339 : memref<199x128xf32, #tpu.memory_space<vmem_shared>>) dst(%dma_wait3A_336 : memref<199x128xf32, #tpu.memory_space<hbm>>)
    %dma_wait3A_340 = arith.constant 1 : i32
    %dma_wait3A_341 = arith.constant 0 : i32
    %dma_wait3A_342 = tpu.memref_slice %arg4[%add3A_57, %dma_wait3A_340, %dma_wait3A_341] : memref<1024x200x128xf32, #tpu.memory_space<hbm>> -> memref<1x199x128xf32, #tpu.memory_space<hbm>>
    %dma_wait3A_343 = tpu.memref_squeeze %dma_wait3A_342 : memref<1x199x128xf32, #tpu.memory_space<hbm>> -> memref<199x128xf32, #tpu.memory_space<hbm>>
    %dma_wait3A_344 = arith.constant 1 : i32
    %dma_wait3A_345 = arith.constant 0 : i32
    %dma_wait3A_346 = tpu.memref_slice %arg5[%dma_wait3A_344, %dma_wait3A_345] : memref<200x128xf32, #tpu.memory_space<vmem_shared>> -> memref<199x128xf32, #tpu.memory_space<vmem_shared>>
    tpu.wait_dma2 semaphore(%arg7 : memref<!tpu.dma_semaphore, #tpu.memory_space<semaphore_mem>>) src(%dma_wait3A_346 : memref<199x128xf32, #tpu.memory_space<vmem_shared>>) dst(%dma_wait3A_343 : memref<199x128xf32, #tpu.memory_space<hbm>>)
    %dma_wait3A_347 = arith.constant 1 : i32
    %dma_wait3A_348 = arith.constant 0 : i32
    %dma_wait3A_349 = tpu.memref_slice %arg4[%add3A_66, %dma_wait3A_347, %dma_wait3A_348] : memref<1024x200x128xf32, #tpu.memory_space<hbm>> -> memref<1x199x128xf32, #tpu.memory_space<hbm>>
    %dma_wait3A_350 = tpu.memref_squeeze %dma_wait3A_349 : memref<1x199x128xf32, #tpu.memory_space<hbm>> -> memref<199x128xf32, #tpu.memory_space<hbm>>
    %dma_wait3A_351 = arith.constant 1 : i32
    %dma_wait3A_352 = arith.constant 0 : i32
    %dma_wait3A_353 = tpu.memref_slice %arg5[%dma_wait3A_351, %dma_wait3A_352] : memref<200x128xf32, #tpu.memory_space<vmem_shared>> -> memref<199x128xf32, #tpu.memory_space<vmem_shared>>
    tpu.wait_dma2 semaphore(%arg7 : memref<!tpu.dma_semaphore, #tpu.memory_space<semaphore_mem>>) src(%dma_wait3A_353 : memref<199x128xf32, #tpu.memory_space<vmem_shared>>) dst(%dma_wait3A_350 : memref<199x128xf32, #tpu.memory_space<hbm>>)
    %dma_wait3A_354 = arith.constant 1 : i32
    %dma_wait3A_355 = arith.constant 0 : i32
    %dma_wait3A_356 = tpu.memref_slice %arg4[%add3A_75, %dma_wait3A_354, %dma_wait3A_355] : memref<1024x200x128xf32, #tpu.memory_space<hbm>> -> memref<1x199x128xf32, #tpu.memory_space<hbm>>
    %dma_wait3A_357 = tpu.memref_squeeze %dma_wait3A_356 : memref<1x199x128xf32, #tpu.memory_space<hbm>> -> memref<199x128xf32, #tpu.memory_space<hbm>>
    %dma_wait3A_358 = arith.constant 1 : i32
    %dma_wait3A_359 = arith.constant 0 : i32
    %dma_wait3A_360 = tpu.memref_slice %arg5[%dma_wait3A_358, %dma_wait3A_359] : memref<200x128xf32, #tpu.memory_space<vmem_shared>> -> memref<199x128xf32, #tpu.memory_space<vmem_shared>>
    tpu.wait_dma2 semaphore(%arg7 : memref<!tpu.dma_semaphore, #tpu.memory_space<semaphore_mem>>) src(%dma_wait3A_360 : memref<199x128xf32, #tpu.memory_space<vmem_shared>>) dst(%dma_wait3A_357 : memref<199x128xf32, #tpu.memory_space<hbm>>)
    %dma_wait3A_361 = arith.constant 1 : i32
    %dma_wait3A_362 = arith.constant 0 : i32
    %dma_wait3A_363 = tpu.memref_slice %arg4[%add3A_84, %dma_wait3A_361, %dma_wait3A_362] : memref<1024x200x128xf32, #tpu.memory_space<hbm>> -> memref<1x199x128xf32, #tpu.memory_space<hbm>>
    %dma_wait3A_364 = tpu.memref_squeeze %dma_wait3A_363 : memref<1x199x128xf32, #tpu.memory_space<hbm>> -> memref<199x128xf32, #tpu.memory_space<hbm>>
    %dma_wait3A_365 = arith.constant 1 : i32
    %dma_wait3A_366 = arith.constant 0 : i32
    %dma_wait3A_367 = tpu.memref_slice %arg5[%dma_wait3A_365, %dma_wait3A_366] : memref<200x128xf32, #tpu.memory_space<vmem_shared>> -> memref<199x128xf32, #tpu.memory_space<vmem_shared>>
    tpu.wait_dma2 semaphore(%arg7 : memref<!tpu.dma_semaphore, #tpu.memory_space<semaphore_mem>>) src(%dma_wait3A_367 : memref<199x128xf32, #tpu.memory_space<vmem_shared>>) dst(%dma_wait3A_364 : memref<199x128xf32, #tpu.memory_space<hbm>>)
    %dma_wait3A_368 = arith.constant 1 : i32
    %dma_wait3A_369 = arith.constant 0 : i32
    %dma_wait3A_370 = tpu.memref_slice %arg4[%add3A_93, %dma_wait3A_368, %dma_wait3A_369] : memref<1024x200x128xf32, #tpu.memory_space<hbm>> -> memref<1x199x128xf32, #tpu.memory_space<hbm>>
    %dma_wait3A_371 = tpu.memref_squeeze %dma_wait3A_370 : memref<1x199x128xf32, #tpu.memory_space<hbm>> -> memref<199x128xf32, #tpu.memory_space<hbm>>
    %dma_wait3A_372 = arith.constant 1 : i32
    %dma_wait3A_373 = arith.constant 0 : i32
    %dma_wait3A_374 = tpu.memref_slice %arg5[%dma_wait3A_372, %dma_wait3A_373] : memref<200x128xf32, #tpu.memory_space<vmem_shared>> -> memref<199x128xf32, #tpu.memory_space<vmem_shared>>
    tpu.wait_dma2 semaphore(%arg7 : memref<!tpu.dma_semaphore, #tpu.memory_space<semaphore_mem>>) src(%dma_wait3A_374 : memref<199x128xf32, #tpu.memory_space<vmem_shared>>) dst(%dma_wait3A_371 : memref<199x128xf32, #tpu.memory_space<hbm>>)
    %dma_wait3A_375 = arith.constant 1 : i32
    %dma_wait3A_376 = arith.constant 0 : i32
    %dma_wait3A_377 = tpu.memref_slice %arg4[%add3A_102, %dma_wait3A_375, %dma_wait3A_376] : memref<1024x200x128xf32, #tpu.memory_space<hbm>> -> memref<1x199x128xf32, #tpu.memory_space<hbm>>
    %dma_wait3A_378 = tpu.memref_squeeze %dma_wait3A_377 : memref<1x199x128xf32, #tpu.memory_space<hbm>> -> memref<199x128xf32, #tpu.memory_space<hbm>>
    %dma_wait3A_379 = arith.constant 1 : i32
    %dma_wait3A_380 = arith.constant 0 : i32
    %dma_wait3A_381 = tpu.memref_slice %arg5[%dma_wait3A_379, %dma_wait3A_380] : memref<200x128xf32, #tpu.memory_space<vmem_shared>> -> memref<199x128xf32, #tpu.memory_space<vmem_shared>>
    tpu.wait_dma2 semaphore(%arg7 : memref<!tpu.dma_semaphore, #tpu.memory_space<semaphore_mem>>) src(%dma_wait3A_381 : memref<199x128xf32, #tpu.memory_space<vmem_shared>>) dst(%dma_wait3A_378 : memref<199x128xf32, #tpu.memory_space<hbm>>)
    %dma_wait3A_382 = arith.constant 1 : i32
    %dma_wait3A_383 = arith.constant 0 : i32
    %dma_wait3A_384 = tpu.memref_slice %arg4[%add3A_111, %dma_wait3A_382, %dma_wait3A_383] : memref<1024x200x128xf32, #tpu.memory_space<hbm>> -> memref<1x199x128xf32, #tpu.memory_space<hbm>>
    %dma_wait3A_385 = tpu.memref_squeeze %dma_wait3A_384 : memref<1x199x128xf32, #tpu.memory_space<hbm>> -> memref<199x128xf32, #tpu.memory_space<hbm>>
    %dma_wait3A_386 = arith.constant 1 : i32
    %dma_wait3A_387 = arith.constant 0 : i32
    %dma_wait3A_388 = tpu.memref_slice %arg5[%dma_wait3A_386, %dma_wait3A_387] : memref<200x128xf32, #tpu.memory_space<vmem_shared>> -> memref<199x128xf32, #tpu.memory_space<vmem_shared>>
    tpu.wait_dma2 semaphore(%arg7 : memref<!tpu.dma_semaphore, #tpu.memory_space<semaphore_mem>>) src(%dma_wait3A_388 : memref<199x128xf32, #tpu.memory_space<vmem_shared>>) dst(%dma_wait3A_385 : memref<199x128xf32, #tpu.memory_space<hbm>>)
    %dma_wait3A_389 = arith.constant 1 : i32
    %dma_wait3A_390 = arith.constant 0 : i32
    %dma_wait3A_391 = tpu.memref_slice %arg4[%add3A_120, %dma_wait3A_389, %dma_wait3A_390] : memref<1024x200x128xf32, #tpu.memory_space<hbm>> -> memref<1x199x128xf32, #tpu.memory_space<hbm>>
    %dma_wait3A_392 = tpu.memref_squeeze %dma_wait3A_391 : memref<1x199x128xf32, #tpu.memory_space<hbm>> -> memref<199x128xf32, #tpu.memory_space<hbm>>
    %dma_wait3A_393 = arith.constant 1 : i32
    %dma_wait3A_394 = arith.constant 0 : i32
    %dma_wait3A_395 = tpu.memref_slice %arg5[%dma_wait3A_393, %dma_wait3A_394] : memref<200x128xf32, #tpu.memory_space<vmem_shared>> -> memref<199x128xf32, #tpu.memory_space<vmem_shared>>
    tpu.wait_dma2 semaphore(%arg7 : memref<!tpu.dma_semaphore, #tpu.memory_space<semaphore_mem>>) src(%dma_wait3A_395 : memref<199x128xf32, #tpu.memory_space<vmem_shared>>) dst(%dma_wait3A_392 : memref<199x128xf32, #tpu.memory_space<hbm>>)
    %dma_wait3A_396 = arith.constant 1 : i32
    %dma_wait3A_397 = arith.constant 0 : i32
    %dma_wait3A_398 = tpu.memref_slice %arg4[%add3A_129, %dma_wait3A_396, %dma_wait3A_397] : memref<1024x200x128xf32, #tpu.memory_space<hbm>> -> memref<1x199x128xf32, #tpu.memory_space<hbm>>
    %dma_wait3A_399 = tpu.memref_squeeze %dma_wait3A_398 : memref<1x199x128xf32, #tpu.memory_space<hbm>> -> memref<199x128xf32, #tpu.memory_space<hbm>>
    %dma_wait3A_400 = arith.constant 1 : i32
    %dma_wait3A_401 = arith.constant 0 : i32
    %dma_wait3A_402 = tpu.memref_slice %arg5[%dma_wait3A_400, %dma_wait3A_401] : memref<200x128xf32, #tpu.memory_space<vmem_shared>> -> memref<199x128xf32, #tpu.memory_space<vmem_shared>>
    tpu.wait_dma2 semaphore(%arg7 : memref<!tpu.dma_semaphore, #tpu.memory_space<semaphore_mem>>) src(%dma_wait3A_402 : memref<199x128xf32, #tpu.memory_space<vmem_shared>>) dst(%dma_wait3A_399 : memref<199x128xf32, #tpu.memory_space<hbm>>)
    %dma_wait3A_403 = arith.constant 1 : i32
    %dma_wait3A_404 = arith.constant 0 : i32
    %dma_wait3A_405 = tpu.memref_slice %arg4[%add3A_138, %dma_wait3A_403, %dma_wait3A_404] : memref<1024x200x128xf32, #tpu.memory_space<hbm>> -> memref<1x199x128xf32, #tpu.memory_space<hbm>>
    %dma_wait3A_406 = tpu.memref_squeeze %dma_wait3A_405 : memref<1x199x128xf32, #tpu.memory_space<hbm>> -> memref<199x128xf32, #tpu.memory_space<hbm>>
    %dma_wait3A_407 = arith.constant 1 : i32
    %dma_wait3A_408 = arith.constant 0 : i32
    %dma_wait3A_409 = tpu.memref_slice %arg5[%dma_wait3A_407, %dma_wait3A_408] : memref<200x128xf32, #tpu.memory_space<vmem_shared>> -> memref<199x128xf32, #tpu.memory_space<vmem_shared>>
    tpu.wait_dma2 semaphore(%arg7 : memref<!tpu.dma_semaphore, #tpu.memory_space<semaphore_mem>>) src(%dma_wait3A_409 : memref<199x128xf32, #tpu.memory_space<vmem_shared>>) dst(%dma_wait3A_406 : memref<199x128xf32, #tpu.memory_space<hbm>>)
    %dma_wait3A_410 = arith.constant 1 : i32
    %dma_wait3A_411 = arith.constant 0 : i32
    %dma_wait3A_412 = tpu.memref_slice %arg4[%add3A_147, %dma_wait3A_410, %dma_wait3A_411] : memref<1024x200x128xf32, #tpu.memory_space<hbm>> -> memref<1x199x128xf32, #tpu.memory_space<hbm>>
    %dma_wait3A_413 = tpu.memref_squeeze %dma_wait3A_412 : memref<1x199x128xf32, #tpu.memory_space<hbm>> -> memref<199x128xf32, #tpu.memory_space<hbm>>
    %dma_wait3A_414 = arith.constant 1 : i32
    %dma_wait3A_415 = arith.constant 0 : i32
    %dma_wait3A_416 = tpu.memref_slice %arg5[%dma_wait3A_414, %dma_wait3A_415] : memref<200x128xf32, #tpu.memory_space<vmem_shared>> -> memref<199x128xf32, #tpu.memory_space<vmem_shared>>
    tpu.wait_dma2 semaphore(%arg7 : memref<!tpu.dma_semaphore, #tpu.memory_space<semaphore_mem>>) src(%dma_wait3A_416 : memref<199x128xf32, #tpu.memory_space<vmem_shared>>) dst(%dma_wait3A_413 : memref<199x128xf32, #tpu.memory_space<hbm>>)
    %dma_wait3A_417 = arith.constant 1 : i32
    %dma_wait3A_418 = arith.constant 0 : i32
    %dma_wait3A_419 = tpu.memref_slice %arg4[%add3A_156, %dma_wait3A_417, %dma_wait3A_418] : memref<1024x200x128xf32, #tpu.memory_space<hbm>> -> memref<1x199x128xf32, #tpu.memory_space<hbm>>
    %dma_wait3A_420 = tpu.memref_squeeze %dma_wait3A_419 : memref<1x199x128xf32, #tpu.memory_space<hbm>> -> memref<199x128xf32, #tpu.memory_space<hbm>>
    %dma_wait3A_421 = arith.constant 1 : i32
    %dma_wait3A_422 = arith.constant 0 : i32
    %dma_wait3A_423 = tpu.memref_slice %arg5[%dma_wait3A_421, %dma_wait3A_422] : memref<200x128xf32, #tpu.memory_space<vmem_shared>> -> memref<199x128xf32, #tpu.memory_space<vmem_shared>>
    tpu.wait_dma2 semaphore(%arg7 : memref<!tpu.dma_semaphore, #tpu.memory_space<semaphore_mem>>) src(%dma_wait3A_423 : memref<199x128xf32, #tpu.memory_space<vmem_shared>>) dst(%dma_wait3A_420 : memref<199x128xf32, #tpu.memory_space<hbm>>)
    %dma_wait3A_424 = arith.constant 1 : i32
    %dma_wait3A_425 = arith.constant 0 : i32
    %dma_wait3A_426 = tpu.memref_slice %arg4[%add3A_165, %dma_wait3A_424, %dma_wait3A_425] : memref<1024x200x128xf32, #tpu.memory_space<hbm>> -> memref<1x199x128xf32, #tpu.memory_space<hbm>>
    %dma_wait3A_427 = tpu.memref_squeeze %dma_wait3A_426 : memref<1x199x128xf32, #tpu.memory_space<hbm>> -> memref<199x128xf32, #tpu.memory_space<hbm>>
    %dma_wait3A_428 = arith.constant 1 : i32
    %dma_wait3A_429 = arith.constant 0 : i32
    %dma_wait3A_430 = tpu.memref_slice %arg5[%dma_wait3A_428, %dma_wait3A_429] : memref<200x128xf32, #tpu.memory_space<vmem_shared>> -> memref<199x128xf32, #tpu.memory_space<vmem_shared>>
    tpu.wait_dma2 semaphore(%arg7 : memref<!tpu.dma_semaphore, #tpu.memory_space<semaphore_mem>>) src(%dma_wait3A_430 : memref<199x128xf32, #tpu.memory_space<vmem_shared>>) dst(%dma_wait3A_427 : memref<199x128xf32, #tpu.memory_space<hbm>>)
    %dma_wait3A_431 = arith.constant 1 : i32
    %dma_wait3A_432 = arith.constant 0 : i32
    %dma_wait3A_433 = tpu.memref_slice %arg4[%add3A_174, %dma_wait3A_431, %dma_wait3A_432] : memref<1024x200x128xf32, #tpu.memory_space<hbm>> -> memref<1x199x128xf32, #tpu.memory_space<hbm>>
    %dma_wait3A_434 = tpu.memref_squeeze %dma_wait3A_433 : memref<1x199x128xf32, #tpu.memory_space<hbm>> -> memref<199x128xf32, #tpu.memory_space<hbm>>
    %dma_wait3A_435 = arith.constant 1 : i32
    %dma_wait3A_436 = arith.constant 0 : i32
    %dma_wait3A_437 = tpu.memref_slice %arg5[%dma_wait3A_435, %dma_wait3A_436] : memref<200x128xf32, #tpu.memory_space<vmem_shared>> -> memref<199x128xf32, #tpu.memory_space<vmem_shared>>
    tpu.wait_dma2 semaphore(%arg7 : memref<!tpu.dma_semaphore, #tpu.memory_space<semaphore_mem>>) src(%dma_wait3A_437 : memref<199x128xf32, #tpu.memory_space<vmem_shared>>) dst(%dma_wait3A_434 : memref<199x128xf32, #tpu.memory_space<hbm>>)
    %dma_wait3A_438 = arith.constant 1 : i32
    %dma_wait3A_439 = arith.constant 0 : i32
    %dma_wait3A_440 = tpu.memref_slice %arg4[%add3A_183, %dma_wait3A_438, %dma_wait3A_439] : memref<1024x200x128xf32, #tpu.memory_space<hbm>> -> memref<1x199x128xf32, #tpu.memory_space<hbm>>
    %dma_wait3A_441 = tpu.memref_squeeze %dma_wait3A_440 : memref<1x199x128xf32, #tpu.memory_space<hbm>> -> memref<199x128xf32, #tpu.memory_space<hbm>>
    %dma_wait3A_442 = arith.constant 1 : i32
    %dma_wait3A_443 = arith.constant 0 : i32
    %dma_wait3A_444 = tpu.memref_slice %arg5[%dma_wait3A_442, %dma_wait3A_443] : memref<200x128xf32, #tpu.memory_space<vmem_shared>> -> memref<199x128xf32, #tpu.memory_space<vmem_shared>>
    tpu.wait_dma2 semaphore(%arg7 : memref<!tpu.dma_semaphore, #tpu.memory_space<semaphore_mem>>) src(%dma_wait3A_444 : memref<199x128xf32, #tpu.memory_space<vmem_shared>>) dst(%dma_wait3A_441 : memref<199x128xf32, #tpu.memory_space<hbm>>)
    %dma_wait3A_445 = arith.constant 1 : i32
    %dma_wait3A_446 = arith.constant 0 : i32
    %dma_wait3A_447 = tpu.memref_slice %arg4[%add3A_192, %dma_wait3A_445, %dma_wait3A_446] : memref<1024x200x128xf32, #tpu.memory_space<hbm>> -> memref<1x199x128xf32, #tpu.memory_space<hbm>>
    %dma_wait3A_448 = tpu.memref_squeeze %dma_wait3A_447 : memref<1x199x128xf32, #tpu.memory_space<hbm>> -> memref<199x128xf32, #tpu.memory_space<hbm>>
    %dma_wait3A_449 = arith.constant 1 : i32
    %dma_wait3A_450 = arith.constant 0 : i32
    %dma_wait3A_451 = tpu.memref_slice %arg5[%dma_wait3A_449, %dma_wait3A_450] : memref<200x128xf32, #tpu.memory_space<vmem_shared>> -> memref<199x128xf32, #tpu.memory_space<vmem_shared>>
    tpu.wait_dma2 semaphore(%arg7 : memref<!tpu.dma_semaphore, #tpu.memory_space<semaphore_mem>>) src(%dma_wait3A_451 : memref<199x128xf32, #tpu.memory_space<vmem_shared>>) dst(%dma_wait3A_448 : memref<199x128xf32, #tpu.memory_space<hbm>>)
    %dma_wait3A_452 = arith.constant 1 : i32
    %dma_wait3A_453 = arith.constant 0 : i32
    %dma_wait3A_454 = tpu.memref_slice %arg4[%add3A_201, %dma_wait3A_452, %dma_wait3A_453] : memref<1024x200x128xf32, #tpu.memory_space<hbm>> -> memref<1x199x128xf32, #tpu.memory_space<hbm>>
    %dma_wait3A_455 = tpu.memref_squeeze %dma_wait3A_454 : memref<1x199x128xf32, #tpu.memory_space<hbm>> -> memref<199x128xf32, #tpu.memory_space<hbm>>
    %dma_wait3A_456 = arith.constant 1 : i32
    %dma_wait3A_457 = arith.constant 0 : i32
    %dma_wait3A_458 = tpu.memref_slice %arg5[%dma_wait3A_456, %dma_wait3A_457] : memref<200x128xf32, #tpu.memory_space<vmem_shared>> -> memref<199x128xf32, #tpu.memory_space<vmem_shared>>
    tpu.wait_dma2 semaphore(%arg7 : memref<!tpu.dma_semaphore, #tpu.memory_space<semaphore_mem>>) src(%dma_wait3A_458 : memref<199x128xf32, #tpu.memory_space<vmem_shared>>) dst(%dma_wait3A_455 : memref<199x128xf32, #tpu.memory_space<hbm>>)
    %dma_wait3A_459 = arith.constant 1 : i32
    %dma_wait3A_460 = arith.constant 0 : i32
    %dma_wait3A_461 = tpu.memref_slice %arg4[%add3A_210, %dma_wait3A_459, %dma_wait3A_460] : memref<1024x200x128xf32, #tpu.memory_space<hbm>> -> memref<1x199x128xf32, #tpu.memory_space<hbm>>
    %dma_wait3A_462 = tpu.memref_squeeze %dma_wait3A_461 : memref<1x199x128xf32, #tpu.memory_space<hbm>> -> memref<199x128xf32, #tpu.memory_space<hbm>>
    %dma_wait3A_463 = arith.constant 1 : i32
    %dma_wait3A_464 = arith.constant 0 : i32
    %dma_wait3A_465 = tpu.memref_slice %arg5[%dma_wait3A_463, %dma_wait3A_464] : memref<200x128xf32, #tpu.memory_space<vmem_shared>> -> memref<199x128xf32, #tpu.memory_space<vmem_shared>>
    tpu.wait_dma2 semaphore(%arg7 : memref<!tpu.dma_semaphore, #tpu.memory_space<semaphore_mem>>) src(%dma_wait3A_465 : memref<199x128xf32, #tpu.memory_space<vmem_shared>>) dst(%dma_wait3A_462 : memref<199x128xf32, #tpu.memory_space<hbm>>)
    %dma_wait3A_466 = arith.constant 1 : i32
    %dma_wait3A_467 = arith.constant 0 : i32
    %dma_wait3A_468 = tpu.memref_slice %arg4[%add3A_219, %dma_wait3A_466, %dma_wait3A_467] : memref<1024x200x128xf32, #tpu.memory_space<hbm>> -> memref<1x199x128xf32, #tpu.memory_space<hbm>>
    %dma_wait3A_469 = tpu.memref_squeeze %dma_wait3A_468 : memref<1x199x128xf32, #tpu.memory_space<hbm>> -> memref<199x128xf32, #tpu.memory_space<hbm>>
    %dma_wait3A_470 = arith.constant 1 : i32
    %dma_wait3A_471 = arith.constant 0 : i32
    %dma_wait3A_472 = tpu.memref_slice %arg5[%dma_wait3A_470, %dma_wait3A_471] : memref<200x128xf32, #tpu.memory_space<vmem_shared>> -> memref<199x128xf32, #tpu.memory_space<vmem_shared>>
    tpu.wait_dma2 semaphore(%arg7 : memref<!tpu.dma_semaphore, #tpu.memory_space<semaphore_mem>>) src(%dma_wait3A_472 : memref<199x128xf32, #tpu.memory_space<vmem_shared>>) dst(%dma_wait3A_469 : memref<199x128xf32, #tpu.memory_space<hbm>>)
    %dma_wait3A_473 = arith.constant 1 : i32
    %dma_wait3A_474 = arith.constant 0 : i32
    %dma_wait3A_475 = tpu.memref_slice %arg4[%add3A_228, %dma_wait3A_473, %dma_wait3A_474] : memref<1024x200x128xf32, #tpu.memory_space<hbm>> -> memref<1x199x128xf32, #tpu.memory_space<hbm>>
    %dma_wait3A_476 = tpu.memref_squeeze %dma_wait3A_475 : memref<1x199x128xf32, #tpu.memory_space<hbm>> -> memref<199x128xf32, #tpu.memory_space<hbm>>
    %dma_wait3A_477 = arith.constant 1 : i32
    %dma_wait3A_478 = arith.constant 0 : i32
    %dma_wait3A_479 = tpu.memref_slice %arg5[%dma_wait3A_477, %dma_wait3A_478] : memref<200x128xf32, #tpu.memory_space<vmem_shared>> -> memref<199x128xf32, #tpu.memory_space<vmem_shared>>
    tpu.wait_dma2 semaphore(%arg7 : memref<!tpu.dma_semaphore, #tpu.memory_space<semaphore_mem>>) src(%dma_wait3A_479 : memref<199x128xf32, #tpu.memory_space<vmem_shared>>) dst(%dma_wait3A_476 : memref<199x128xf32, #tpu.memory_space<hbm>>)
    %dma_wait3A_480 = arith.constant 1 : i32
    %dma_wait3A_481 = arith.constant 0 : i32
    %dma_wait3A_482 = tpu.memref_slice %arg4[%add3A_237, %dma_wait3A_480, %dma_wait3A_481] : memref<1024x200x128xf32, #tpu.memory_space<hbm>> -> memref<1x199x128xf32, #tpu.memory_space<hbm>>
    %dma_wait3A_483 = tpu.memref_squeeze %dma_wait3A_482 : memref<1x199x128xf32, #tpu.memory_space<hbm>> -> memref<199x128xf32, #tpu.memory_space<hbm>>
    %dma_wait3A_484 = arith.constant 1 : i32
    %dma_wait3A_485 = arith.constant 0 : i32
    %dma_wait3A_486 = tpu.memref_slice %arg5[%dma_wait3A_484, %dma_wait3A_485] : memref<200x128xf32, #tpu.memory_space<vmem_shared>> -> memref<199x128xf32, #tpu.memory_space<vmem_shared>>
    tpu.wait_dma2 semaphore(%arg7 : memref<!tpu.dma_semaphore, #tpu.memory_space<semaphore_mem>>) src(%dma_wait3A_486 : memref<199x128xf32, #tpu.memory_space<vmem_shared>>) dst(%dma_wait3A_483 : memref<199x128xf32, #tpu.memory_space<hbm>>)
    %dma_wait3A_487 = arith.constant 1 : i32
    %dma_wait3A_488 = arith.constant 0 : i32
    %dma_wait3A_489 = tpu.memref_slice %arg4[%add3A_246, %dma_wait3A_487, %dma_wait3A_488] : memref<1024x200x128xf32, #tpu.memory_space<hbm>> -> memref<1x199x128xf32, #tpu.memory_space<hbm>>
    %dma_wait3A_490 = tpu.memref_squeeze %dma_wait3A_489 : memref<1x199x128xf32, #tpu.memory_space<hbm>> -> memref<199x128xf32, #tpu.memory_space<hbm>>
    %dma_wait3A_491 = arith.constant 1 : i32
    %dma_wait3A_492 = arith.constant 0 : i32
    %dma_wait3A_493 = tpu.memref_slice %arg5[%dma_wait3A_491, %dma_wait3A_492] : memref<200x128xf32, #tpu.memory_space<vmem_shared>> -> memref<199x128xf32, #tpu.memory_space<vmem_shared>>
    tpu.wait_dma2 semaphore(%arg7 : memref<!tpu.dma_semaphore, #tpu.memory_space<semaphore_mem>>) src(%dma_wait3A_493 : memref<199x128xf32, #tpu.memory_space<vmem_shared>>) dst(%dma_wait3A_490 : memref<199x128xf32, #tpu.memory_space<hbm>>)
    %dma_wait3A_494 = arith.constant 1 : i32
    %dma_wait3A_495 = arith.constant 0 : i32
    %dma_wait3A_496 = tpu.memref_slice %arg4[%add3A_255, %dma_wait3A_494, %dma_wait3A_495] : memref<1024x200x128xf32, #tpu.memory_space<hbm>> -> memref<1x199x128xf32, #tpu.memory_space<hbm>>
    %dma_wait3A_497 = tpu.memref_squeeze %dma_wait3A_496 : memref<1x199x128xf32, #tpu.memory_space<hbm>> -> memref<199x128xf32, #tpu.memory_space<hbm>>
    %dma_wait3A_498 = arith.constant 1 : i32
    %dma_wait3A_499 = arith.constant 0 : i32
    %dma_wait3A_500 = tpu.memref_slice %arg5[%dma_wait3A_498, %dma_wait3A_499] : memref<200x128xf32, #tpu.memory_space<vmem_shared>> -> memref<199x128xf32, #tpu.memory_space<vmem_shared>>
    tpu.wait_dma2 semaphore(%arg7 : memref<!tpu.dma_semaphore, #tpu.memory_space<semaphore_mem>>) src(%dma_wait3A_500 : memref<199x128xf32, #tpu.memory_space<vmem_shared>>) dst(%dma_wait3A_497 : memref<199x128xf32, #tpu.memory_space<hbm>>)
    %dma_wait3A_501 = arith.constant 1 : i32
    %dma_wait3A_502 = arith.constant 0 : i32
    %dma_wait3A_503 = tpu.memref_slice %arg4[%add3A_264, %dma_wait3A_501, %dma_wait3A_502] : memref<1024x200x128xf32, #tpu.memory_space<hbm>> -> memref<1x199x128xf32, #tpu.memory_space<hbm>>
    %dma_wait3A_504 = tpu.memref_squeeze %dma_wait3A_503 : memref<1x199x128xf32, #tpu.memory_space<hbm>> -> memref<199x128xf32, #tpu.memory_space<hbm>>
    %dma_wait3A_505 = arith.constant 1 : i32
    %dma_wait3A_506 = arith.constant 0 : i32
    %dma_wait3A_507 = tpu.memref_slice %arg5[%dma_wait3A_505, %dma_wait3A_506] : memref<200x128xf32, #tpu.memory_space<vmem_shared>> -> memref<199x128xf32, #tpu.memory_space<vmem_shared>>
    tpu.wait_dma2 semaphore(%arg7 : memref<!tpu.dma_semaphore, #tpu.memory_space<semaphore_mem>>) src(%dma_wait3A_507 : memref<199x128xf32, #tpu.memory_space<vmem_shared>>) dst(%dma_wait3A_504 : memref<199x128xf32, #tpu.memory_space<hbm>>)
    %dma_wait3A_508 = arith.constant 1 : i32
    %dma_wait3A_509 = arith.constant 0 : i32
    %dma_wait3A_510 = tpu.memref_slice %arg4[%add3A_273, %dma_wait3A_508, %dma_wait3A_509] : memref<1024x200x128xf32, #tpu.memory_space<hbm>> -> memref<1x199x128xf32, #tpu.memory_space<hbm>>
    %dma_wait3A_511 = tpu.memref_squeeze %dma_wait3A_510 : memref<1x199x128xf32, #tpu.memory_space<hbm>> -> memref<199x128xf32, #tpu.memory_space<hbm>>
    %dma_wait3A_512 = arith.constant 1 : i32
    %dma_wait3A_513 = arith.constant 0 : i32
    %dma_wait3A_514 = tpu.memref_slice %arg5[%dma_wait3A_512, %dma_wait3A_513] : memref<200x128xf32, #tpu.memory_space<vmem_shared>> -> memref<199x128xf32, #tpu.memory_space<vmem_shared>>
    tpu.wait_dma2 semaphore(%arg7 : memref<!tpu.dma_semaphore, #tpu.memory_space<semaphore_mem>>) src(%dma_wait3A_514 : memref<199x128xf32, #tpu.memory_space<vmem_shared>>) dst(%dma_wait3A_511 : memref<199x128xf32, #tpu.memory_space<hbm>>)
    %dma_wait3A_515 = arith.constant 1 : i32
    %dma_wait3A_516 = arith.constant 0 : i32
    %dma_wait3A_517 = tpu.memref_slice %arg4[%add3A_282, %dma_wait3A_515, %dma_wait3A_516] : memref<1024x200x128xf32, #tpu.memory_space<hbm>> -> memref<1x199x128xf32, #tpu.memory_space<hbm>>
    %dma_wait3A_518 = tpu.memref_squeeze %dma_wait3A_517 : memref<1x199x128xf32, #tpu.memory_space<hbm>> -> memref<199x128xf32, #tpu.memory_space<hbm>>
    %dma_wait3A_519 = arith.constant 1 : i32
    %dma_wait3A_520 = arith.constant 0 : i32
    %dma_wait3A_521 = tpu.memref_slice %arg5[%dma_wait3A_519, %dma_wait3A_520] : memref<200x128xf32, #tpu.memory_space<vmem_shared>> -> memref<199x128xf32, #tpu.memory_space<vmem_shared>>
    tpu.wait_dma2 semaphore(%arg7 : memref<!tpu.dma_semaphore, #tpu.memory_space<semaphore_mem>>) src(%dma_wait3A_521 : memref<199x128xf32, #tpu.memory_space<vmem_shared>>) dst(%dma_wait3A_518 : memref<199x128xf32, #tpu.memory_space<hbm>>)
    %dma_wait3A_522 = arith.constant 1 : i32
    %dma_wait3A_523 = arith.constant 0 : i32
    %dma_wait3A_524 = tpu.memref_slice %arg4[%add3A_291, %dma_wait3A_522, %dma_wait3A_523] : memref<1024x200x128xf32, #tpu.memory_space<hbm>> -> memref<1x199x128xf32, #tpu.memory_space<hbm>>
    %dma_wait3A_525 = tpu.memref_squeeze %dma_wait3A_524 : memref<1x199x128xf32, #tpu.memory_space<hbm>> -> memref<199x128xf32, #tpu.memory_space<hbm>>
    %dma_wait3A_526 = arith.constant 1 : i32
    %dma_wait3A_527 = arith.constant 0 : i32
    %dma_wait3A_528 = tpu.memref_slice %arg5[%dma_wait3A_526, %dma_wait3A_527] : memref<200x128xf32, #tpu.memory_space<vmem_shared>> -> memref<199x128xf32, #tpu.memory_space<vmem_shared>>
    tpu.wait_dma2 semaphore(%arg7 : memref<!tpu.dma_semaphore, #tpu.memory_space<semaphore_mem>>) src(%dma_wait3A_528 : memref<199x128xf32, #tpu.memory_space<vmem_shared>>) dst(%dma_wait3A_525 : memref<199x128xf32, #tpu.memory_space<hbm>>)
    return
  }
}

</mosaic_0001>

<sc_bundles>
// kernel: kernel.3.cloned.1.call-start
scs
__scs_entry_jumppad:
0x0: {  	(pc) =	sbr.rel $0x88, $3  }
0x1: {  	(tag) =	ssettag $0x0;
	lr =	simm.s32 $0x1  }
0x2: {  	[smem:$0x3F9F] =	sst lr;
	_ =	strace $0xD0000000  }
0x3: {  	_ = 	snop  }
0x4: {  	_ = 	snop  }
0x5: {  	_ = 	snop  }
0x6: {  	_ = 	snop  }
0x7: {  	_ = 	snop  }
__scs_overlays_trampoline_lowered:
0x8: {  	[smem:$0x3FAE] =	sst s0  }
0x9: {  	[smem:$0x3FAF] =	sst s1  }
0xa: {  	[smem:$0x3FB0] =	sst s2  }
0xb: {  	[smem:$0x3FB1] =	sst s3  }
0xc: {  	[smem:$0x3FB2] =	sst s4  }
0xd: {  	[smem:$0x3FB3] =	sst s5  }
0xe: {  	[smem:$0x3FB4] =	sst s6  }
0xf: {  	[smem:$0x3FB5] =	sst s7  }
0x10: {  	[smem:$0x3FB6] =	sst s8  }
0x11: {  	[smem:$0x3FB7] =	sst s9;
	s0 =	simm.s32 @!p0 $0x0  }
0x12: {  	s1 =	sld [smem:$0x3F9D];
	s0 =	simm.s32 @p0 $0x1  }
0x13: {  	[smem:$0x3FB8] =	sst s0;
	s0 =	simm.s32 @!p1 $0x0  }
0x14: {  	s2 =	sld [smem:$0x3F9C];
	s0 =	simm.s32 @p1 $0x1  }
0x15: {  	[smem:$0x3FB9] =	sst s0;
	s0 =	simm.s32 @!p2 $0x0  }
0x16: {  	s3 =	sld [smem:$0x3FDB];
	s0 =	simm.s32 @p2 $0x1  }
0x17: {  	s4 =	simm.s32 $0x1BF5;
	[smem:$0x3FBB] =	sst s0  }
0x18: {  	s0 =	sld [smem:$0x3F9E];
	_ =	swait.ge [sflag:s4], $0x0  }
0x19: {  	s7 =	sld [smem:$0x3F9F]  }
0x1a: {  	s8 =	sadd.s32 $0xFFFFE003, lr  }
0x1b: {  	s9 =	sadd.s32 $0xFFFFFEF7, lr;
	s5 =	simm.s32 $0xFFFFFFFF;
	p2 =	slt.u32 s8, $0xFFFFF086  }
0x1c: {  	p1 =	slt.u32 s9, $0xF7A;
	s5 =	simm.s32 @!p2 $0x0  }
0x1d: {  	s5 =	simm.s32 @p1 $0x1;
	p0 =	seq.s32 s7, s2  }
0x1e: {  	s7 =	smul.u32 @!p0 $0xF7A, s2;
	p2 =	seq.s32 @!p0 s5, $0x0  }
0x1f: {  	s9 =	smul.u32 $0xF7A, s1;
	s8 =	simm.s32 @!p0 $0x1BF5;
	p2 =	por !p2, p0  }
0x20: {  	[sflag:s8] =	ssyncset.s32 @!p0 $0xFFFFF086;
	s6 =	sadd.s32 @!p0 s3, s7;
	s7 =	simm.s32 @!p0 $0x108  }
0x21: {  	s3 =	sadd.s32 s3, s9;
	s6 =	sadd.s32 @!p0 $0x88, s6;
	s7 =	simm.s32 @p2 $0x1082  }
0x22: {  	[simem:s7], [sflag:s8] =	dma.local @!p0 [hbm:s6], $0xF7A  }
0x23: {  	s9 =	sor.u32 $0xD0000000, s2;
	s6 =	simm.s32 $0x108;
	_ =	swait.ge @!p0 [sflag:s8], $0x0  }
0x24: {  	s3 =	sadd.s32 $0x88, s3;
	s6 =	simm.s32 @!p1 $0x1082;
	[sflag:s4] =	ssyncset.s32 $0xFFFFF086  }
0x25: {  	[simem:s6], [sflag:s4] =	dma.local [hbm:s3], $0xF7A  }
0x26: {  	[smem:$0x3F9F] =	sst s1;
	(tag) =	ssettag s2;
	_ =	strace s9  }
0x27: {  	s1 =	sld [smem:$0x3FAF]  }
0x28: {  	s2 =	sld [smem:$0x3FB0]  }
0x29: {  	s4 =	sld [smem:$0x3FB2]  }
0x2a: {  	p0 =	seq.s32 s5, $0x0;
	s5 =	sld [smem:$0x3FB3]  }
0x2b: {  	s6 =	sld [smem:$0x3FB4]  }
0x2c: {  	s7 =	sld [smem:$0x3FB5]  }
0x2d: {  	s3 =	simm.s32 $0x108;
	s8 =	sld [smem:$0x3FB6]  }
0x2e: {  	s3 =	simm.s32 @!p0 $0x1082;
	s9 =	sld [smem:$0x3FB7]  }
0x2f: {  	lr =	sadd.s32 s0, s3;
	s0 =	sld [smem:$0x3FAE]  }
0x30: {  	s3 =	sld [smem:$0x3FB1]  }
0x31: {  	[smem:$0x3FBA] =	sst s10  }
0x32: {  	s10 =	sld [smem:$0x3FB8];
	_ =	sdelay $0x3  }
0x33: {  	p0 =	seq.s32 s10, $0x1;
	s10 =	sld [smem:$0x3FBA];
	_ =	sdelay $0x3  }
0x34: {  	[smem:$0x3FBA] =	sst s10  }
0x35: {  	s10 =	sld [smem:$0x3FB9];
	_ =	sdelay $0x3  }
0x36: {  	p1 =	seq.s32 s10, $0x1;
	s10 =	sld [smem:$0x3FBA];
	_ =	sdelay $0x3  }
0x37: {  	[smem:$0x3FBA] =	sst s10  }
0x38: {  	s10 =	sld [smem:$0x3FBB]  }
0x39: {  	_ = 	snop;
	(pc) =	sbr.ind lr, $3  }
0x3a: {  	_ = 	snop  }
0x3b: {  	_ = 	snop  }
0x3c: {  	p2 =	seq.s32 s10, $0x1;
	s10 =	sld [smem:$0x3FBA]  }
0x3d: {  	_ =	shalt  }
0x3e: {  	_ =	shalt  }
0x3f: {  	_ =	shalt  }
0x40: {  	_ =	shalt  }
0x41: {  	_ =	shalt  }
0x42: {  	_ =	shalt  }
0x43: {  	_ =	shalt  }
0x44: {  	_ =	shalt  }
0x45: {  	_ =	shalt  }
0x46: {  	_ =	shalt  }
0x47: {  	_ =	shalt  }
0x48: {  	_ =	shalt  }
0x49: {  	_ =	shalt  }
0x4a: {  	_ =	shalt  }
0x4b: {  	_ =	shalt  }
0x4c: {  	_ =	shalt  }
0x4d: {  	_ =	shalt  }
0x4e: {  	_ =	shalt  }
0x4f: {  	_ =	shalt  }
0x50: {  	_ =	shalt  }
0x51: {  	_ =	shalt  }
0x52: {  	_ =	shalt  }
0x53: {  	_ =	shalt  }
0x54: {  	_ =	shalt  }
0x55: {  	_ =	shalt  }
0x56: {  	_ =	shalt  }
0x57: {  	_ =	shalt  }
0x58: {  	_ =	shalt  }
0x59: {  	_ =	shalt  }
0x5a: {  	_ =	shalt  }
0x5b: {  	_ =	shalt  }
0x5c: {  	_ =	shalt  }
0x5d: {  	_ =	shalt  }
0x5e: {  	_ =	shalt  }
0x5f: {  	_ =	shalt  }
0x60: {  	_ =	shalt  }
0x61: {  	_ =	shalt  }
0x62: {  	_ =	shalt  }
0x63: {  	_ =	shalt  }
0x64: {  	_ =	shalt  }
0x65: {  	_ =	shalt  }
0x66: {  	_ =	shalt  }
0x67: {  	_ =	shalt  }
0x68: {  	_ =	shalt  }
0x69: {  	_ =	shalt  }
0x6a: {  	_ =	shalt  }
0x6b: {  	_ =	shalt  }
0x6c: {  	_ =	shalt  }
0x6d: {  	_ =	shalt  }
0x6e: {  	_ =	shalt  }
0x6f: {  	_ =	shalt  }
0x70: {  	_ =	shalt  }
0x71: {  	_ =	shalt  }
0x72: {  	_ =	shalt  }
0x73: {  	_ =	shalt  }
0x74: {  	_ =	shalt  }
0x75: {  	_ =	shalt  }
0x76: {  	_ =	shalt  }
0x77: {  	_ =	shalt  }
0x78: {  	_ =	shalt  }
0x79: {  	_ =	shalt  }
0x7a: {  	_ =	shalt  }
0x7b: {  	_ =	shalt  }
0x7c: {  	_ =	shalt  }
0x7d: {  	_ =	shalt  }
0x7e: {  	_ =	shalt  }
0x7f: {  	_ =	shalt  }
0x80: {  	_ =	shalt  }
0x81: {  	_ =	shalt  }
0x82: {  	_ =	shalt  }
0x83: {  	_ =	shalt  }
0x84: {  	_ =	shalt  }
0x85: {  	_ =	shalt  }
0x86: {  	_ =	shalt  }
0x87: {  	_ =	shalt  }
.Lfunc_end0:
.L_simem_size_0:
called_computation_lowered:
.L_overlay_start_0:
0x88: {  	s2 =	sld [smem:$0x3FD9]  }
0x89: {  	s3 =	sld [smem:$0x3FFE];
	_ =	sdelay $0x1  }
0x8a: {  	s1 =	srdreg.scid  }
0x8b: {  	s0 =	sand.u32 $0x1, s1  }
0x8c: {  	s18 =	sshll.u32 s0, $0xA;
	s2 =	sadd.s32 s3, s2  }
0x8d: {  	s2 =	sadd.s32 s2, s18  }
0x8e: {  	[smem:$0x3FC6] =	sst s2  }
0x8f: {  	_ = 	snop  }
0x90: {  	s2 =	sld [smem:$0x3FC9]  }
0x91: {  	s19 =	sld [smem:$0x3FC8]  }
0x92: {  	s4 =	sld [smem:$0x3FD0];
	(tm) =	ssettm $0x1  }
0x93: {  	s5 =	sld [smem:$0x3FFB];
	_ =	sdelay $0x3  }
0x94: {  	_ =	strace s5  }
0x95: {  	s5 =	sld [smem:$0x3FFC];
	_ =	sdelay $0x3  }
0x96: {  	_ =	strace s5  }
0x97: {  	s5 =	sld [smem:$0x3FFD];
	_ =	sdelay $0x3  }
0x98: {  	_ =	strace s5  }
0x99: {  	_ =	strace $0x8FFFFFFF  }
0x9a: {  	s20 =	sld [smem:$0x3FDB];
	_ =	sdelay $0x1  }
0x9b: {  	s6 =	simm.s32 $_scs_section_size  }
0x9c: {  	s7 =	simm.s32 $_size__tile_overlayer_lowered;
	s8 =	simm.s32 $_tile_overlayer_lowered  }
0x9d: {  	s23 =	simm.s32 $0x1BFF;
	s22 =	sshll.u32 s8, $0x1;
	s5 =	sadd.s32 s6, s20  }
0x9e: {  	s9 =	simm.s32 $0x0;
	s21 =	sshll.u32 s7, $0x1;
	s7 =	sadd.s32 s22, s5  }
0x9f: {  	[timem:s9], [sflag:s23] =	dma.local [hbm:s7], s21  }
0xa0: {  	_ =	swait.ge [sflag:s23], s21  }
0xa1: {  	s6 =	ssub.s32 $0x0, s21;
	[sflag:s23] =	ssyncset.done $0x0  }
0xa2: {  	[sflag:s23] =	ssyncadd.s32 s6;
	_ =	sdelay $0x1  }
0xa3: {  	s24 =	simm.s32 $0x1B8B  }
0xa4: {  	_ =	swait.ge [sflag:s24], $0x1  }
0xa5: {  	[sflag:s24] =	ssyncset.done $0x0  }
0xa6: {  	s25 =	simm.s32 $0x1B8E;
	[sflag:s24] =	ssyncadd.s32 $0xFFFFFFFF  }
0xa7: {  	s26 =	simm.s32 $execute0_lowered;
	[smem:$0x3FD2] =	sst s25  }
0xa8: {  	s6 =	sshll.u32 s26, $0x1;
	_ =	strace $0x80000046;
	[dreg:$0x1] =	wrdreg $0xFFFFFFFF  }
0xa9: {  	s28 =	simm.s32 $_size_execute0_lowered;
	s5 =	sadd.s32 s5, s6;
	[dreg:$0x0] =	wrdreg $0x0  }
0xaa: {  	s6 =	sshll.u32 s28, $0x1;
	[dreg:$0x2] =	wrdreg s5  }
0xab: {  	[dreg:$0x3] =	wrdreg s6  }
0xac: {  	[dreg:$0x4] =	wrdreg $0xC0  }
0xad: {  	_ =	task [dreg:s9], $0x5FFFF  }
0xae: {  	[dreg:$0x1] =	wrdreg $0xFFFFFFFF  }
0xaf: {  	[dreg:$0x0] =	wrdreg $0x60  }
0xb0: {  	[dreg:$0x2] =	wrdreg s2  }
0xb1: {  	[dreg:$0x3] =	wrdreg s19  }
0xb2: {  	[dreg:$0x4] =	wrdreg s4  }
0xb3: {  	[dreg:$0x5] =	wrdreg $0x0  }
0xb4: {  	[dreg:$0x6] =	wrdreg $0x9  }
0xb5: {  	_ =	task.clear_ibuf [dreg:s9], $0x7FFFF;
	_ =	strace $0x90000046  }
0xb6: {  	s29 =	simm.s32 $0x9;
	_ =	strace $0x80000048  }
0xb7: {  	_ =	swait.ge [sflag:s29], $0x1  }
0xb8: {  	[sflag:s29] =	ssyncadd.s32 $0xFFFFFFFF  }
0xb9: {  	_ =	strace $0x90000048  }
0xba: {  	_ =	sfence  }
0xbb: {  	s30 =	sld [smem:$0x0];
	_ =	sdelay $0x2  }
0xbc: {  	s31 =	sshll.u32 s1, $0xD;
	s1 =	sshrl.u32 s1, $0x2  }
0xbd: {  	s3 =	sand.u32 $0x4000, s31;
	s1 =	sadd.s32 s1, s30  }
0xbe: {  	s0 =	sor.u32 s3, s0;
	s1 =	sshll.u32 s1, $0x11  }
0xbf: {  	s0 =	sor.u32 s1, s0  }
0xc0: {  	s0 =	sadd.s32 $0x8F2B, s0  }
0xc1: {  	[sflag:s0] =	ssyncadd.remote.s32 $0x1  }
0xc2: {  	_ =	sfence.sel $0xFFFF  }
0xc3: {  	[dreg:$0x0] =	wrdreg $0xFFFFFFFF;
	(pc) =	sbr.abs _section_cstart, $3  }
0xc4: {  	[dreg:$0x1] =	wrdreg $0xFFFFFFFF  }
0xc5: {  	_ =	task.clear_ibuf [dreg:s9], $0x2FFFF;
	_ =	strace $0x9FFFFFFF  }
0xc6: {  	(tm) =	ssettm $0x7FFFFFFF  }
0xc7: {  	_ =	shalt  }
tec
execute0_lowered:
.L_overlay_start_1:
0x0: {  	(tag) =	ssettag $0x1  }
0x1: {  	s4 =	rddreg [dreg:$0x0]  }
0x2: {  	s0 =	rddreg [dreg:$0x1];
	s1 =	srdreg.scid  }
0x3: {  	s19 =	stileid.u32;
	s6 =	rddreg [dreg:$0x2];
	s5 =	sand.u32 $0x1, s1  }
0x4: {  	[dreg:$0x5] =	wrdreg s0;
	s2 =	sshll.u32 s19, $0x6;
	s10 =	sshll.u32 s5, $0x5  }
0x5: {  	s3 =	simm.s32 $0x0;
	s1 =	rddreg [dreg:$0x3];
	s7 =	sor.u32 s10, s2  }
0x6: {  	[smem:$0x7FF] =	sst s3;
	s8 =	smul.u32 $0x6400, s7  }
0x7: {  	s0 =	rddreg [dreg:$0x4];
	_ =	strace $0x80000047  }
0x8: {  	s9 =	sshll.u32 s7, $0x4;
	s7 =	smul.u32 $0xC80, s7;
	s8 =	sshrl.u32 s8, $0x3  }
0x9: {  	s31 =	rddreg [dreg:$0x5];
	s9 =	sadd.s32 s4, s9;
	s4 =	sadd.s32 s6, s8  }
0xa: {  	[dreg:$0x6] =	wrdreg s9;
	s6 =	sadd.s32 s7, s6;
	s8 =	sadd.s32 $0x10, s4  }
0xb: {  	s6 =	sadd.s32 $0xC90, s6;
	[dreg:$0x7] =	wrdreg s8  }
0xc: {  	s11 =	sadd.s32 $0x1910, s4;
	[dreg:$0x8] =	wrdreg s6  }
0xd: {  	s12 =	sadd.s32 $0x2590, s4;
	[dreg:$0x9] =	wrdreg s11  }
0xe: {  	s13 =	sadd.s32 $0x3210, s4;
	[dreg:$0xa] =	wrdreg s12  }
0xf: {  	s14 =	sadd.s32 $0x3E90, s4;
	[dreg:$0xb] =	wrdreg s13  }
0x10: {  	s15 =	sadd.s32 $0x4B10, s4;
	[dreg:$0xc] =	wrdreg s14  }
0x11: {  	s16 =	sadd.s32 $0x5790, s4;
	[dreg:$0xd] =	wrdreg s15  }
0x12: {  	s17 =	sadd.s32 $0x6410, s4;
	[dreg:$0xe] =	wrdreg s16  }
0x13: {  	p1 =	por $0x0, $0x0;
	s18 =	sadd.s32 $0x7090, s4;
	[dreg:$0xf] =	wrdreg s17  }
0x14: {  	p0 =	sne.s32 s19, $0x0;
	s20 =	sadd.s32 $0x7D10, s4;
	[dreg:$0x10] =	wrdreg s18  }
0x15: {  	s19 =	simm.s32 $0x2;
	s21 =	sadd.s32 $0x8990, s4;
	[dreg:$0x11] =	wrdreg s20  }
0x16: {  	s5 =	ssub.s32 $0x2, s5;
	s22 =	sadd.s32 $0x9610, s4;
	[dreg:$0x12] =	wrdreg s21  }
0x17: {  	s26 =	sshrl.u32 s5, $0x1;
	s23 =	sadd.s32 $0xA290, s4;
	[dreg:$0x13] =	wrdreg s22  }
0x18: {  	s24 =	sadd.s32 $0xAF10, s4;
	s25 =	sadd.s32 $0xBB90, s4;
	[dreg:$0x14] =	wrdreg s23  }
0x19: {  	s28 =	sadd.s32 $0xC810, s4;
	s29 =	sadd.s32 $0xD490, s4;
	[dreg:$0x15] =	wrdreg s24  }
0x1a: {  	s7 =	sadd.s32 $0xFA10, s4;
	s9 =	sadd.s32 $0x11310, s4;
	[dreg:$0x16] =	wrdreg s25  }
0x1b: {  	s10 =	sadd.s32 $0x11F90, s4;
	s20 =	ssub.s32 s5, s26;
	[dreg:$0x17] =	wrdreg s28  }
0x1c: {  	s25 =	sadd.s32 $0x80, s1;
	[dreg:$0x18] =	wrdreg s29;
	s26 =	smax.u32 s20, $0x1  }
0x1d: {  	s5 =	sadd.s32 $0xE110, s4;
	s6 =	sadd.s32 $0xED90, s4;
	s30 =	sadd.s32 $0xFFFFFFFF, s26  }
0x1e: {  	s8 =	sadd.s32 $0x10690, s4;
	s11 =	sadd.s32 $0x12C10, s4;
	p2 =	sne.s32 s30, $0x0  }
.Ltmp0:
0x1f: {  	s12 =	sadd.s32 $0x13890, s4;
	s13 =	sadd.s32 $0x14510, s4;
	(pc) =	sbr.rel @!p2 .LBB2_3-.Ltmp0, $4  }
0x20: {  	s14 =	sadd.s32 $0x15190, s4;
	s15 =	sadd.s32 $0x15E10, s4;
	s16 =	sadd.s32 $0x16A90, s4  }
0x21: {  	s17 =	sadd.s32 $0x17710, s4;
	s18 =	sadd.s32 $0x18390, s4;
	s21 =	simm.s32 $0x640  }
0x22: {  	s24 =	simm.s32 $0x3;
	s22 =	simm.s32 $0x80;
	s23 =	simm.s32 $0x6400  }
0x23: {  	s20 =	sshrl.u32 s25, $0x3;
	s25 =	sshrl.u32 @!p0 s1, $0x3;
	s1 =	simm.s32 $0x1  }
0x24: {  	s26 =	simm.s32 @!p0 $0x1C03;
	s28 =	simm.s32 @!p0 $0x3  }
0x25: {  	[spmem:s25], [sflag:s26] =	dma.local @!p0 [hbm:s31], $0xC80  }
0x26: {  	_ =	swait.ge @!p0 [sflag:s28], $0xC80  }
0x27: {  	[sflag:s28] =	ssyncset.done @!p0 $0x0  }
0x28: {  	s29 =	rddreg [dreg:$0x6];
	[sflag:s28] =	ssyncadd.s32 @!p0 $0xFFFFF380  }
0x29: {  	[tilespmem:s21], [sflag:$0x3] =	stream.linear.gather [hbm4b:s29+s3], $0x1000, $0x38;
	[tilespmem:$0x1640] =	vst v63  }
0x2a: {  	_ =	swait.ge [sflag:s24], $0x1000  }
0x2b: {  	[sflag:s24] =	ssyncset.done $0x0  }
0x2c: {  	[sflag:s24] =	ssyncadd.s32 $0xFFFFF000  }
0x2d: {  	[bflag:$0x0] =	sbarrier.arrive $0xFFFF  }
0x2e: {  	s29 =	sor.u32 $0x1C01, s2;
	s31 =	rddreg [dreg:$0x7]  }
0x2f: {  	[hbm4b:s4+s22] =	stream.strided.scatter [tilespmem:s21], [sflag:$0x2], $0x1000, s23, s22, $0x38;
	[tilespmem:$0x1640] =	vst v63  }
0x30: {  	[hbm:s31], [sflag:s29] =	dma.local [spmem:s20], $0xC70  }
0x31: {  	s31 =	rddreg [dreg:$0x8]  }
0x32: {  	[hbm:s31], [sflag:s29] =	dma.local [spmem:s20], $0xC70  }
0x33: {  	s31 =	rddreg [dreg:$0x9]  }
0x34: {  	[hbm:s31], [sflag:s29] =	dma.local [spmem:s20], $0xC70  }
0x35: {  	s31 =	rddreg [dreg:$0xa]  }
0x36: {  	[hbm:s31], [sflag:s29] =	dma.local [spmem:s20], $0xC70  }
0x37: {  	s31 =	rddreg [dreg:$0xb]  }
0x38: {  	[hbm:s31], [sflag:s29] =	dma.local [spmem:s20], $0xC70  }
0x39: {  	s31 =	rddreg [dreg:$0xc]  }
0x3a: {  	[hbm:s31], [sflag:s29] =	dma.local [spmem:s20], $0xC70  }
0x3b: {  	s31 =	rddreg [dreg:$0xd]  }
0x3c: {  	[hbm:s31], [sflag:s29] =	dma.local [spmem:s20], $0xC70  }
0x3d: {  	s31 =	rddreg [dreg:$0xe]  }
0x3e: {  	[hbm:s31], [sflag:s29] =	dma.local [spmem:s20], $0xC70  }
0x3f: {  	s31 =	rddreg [dreg:$0xf]  }
0x40: {  	[hbm:s31], [sflag:s29] =	dma.local [spmem:s20], $0xC70  }
0x41: {  	s31 =	rddreg [dreg:$0x10]  }
0x42: {  	[hbm:s31], [sflag:s29] =	dma.local [spmem:s20], $0xC70  }
0x43: {  	s31 =	rddreg [dreg:$0x11]  }
0x44: {  	[hbm:s31], [sflag:s29] =	dma.local [spmem:s20], $0xC70  }
0x45: {  	s31 =	rddreg [dreg:$0x12]  }
0x46: {  	[hbm:s31], [sflag:s29] =	dma.local [spmem:s20], $0xC70  }
0x47: {  	s31 =	rddreg [dreg:$0x13]  }
0x48: {  	[hbm:s31], [sflag:s29] =	dma.local [spmem:s20], $0xC70  }
0x49: {  	s31 =	rddreg [dreg:$0x14]  }
0x4a: {  	[hbm:s31], [sflag:s29] =	dma.local [spmem:s20], $0xC70  }
0x4b: {  	s31 =	rddreg [dreg:$0x15]  }
0x4c: {  	[hbm:s31], [sflag:s29] =	dma.local [spmem:s20], $0xC70  }
0x4d: {  	s31 =	rddreg [dreg:$0x16]  }
0x4e: {  	[hbm:s31], [sflag:s29] =	dma.local [spmem:s20], $0xC70  }
0x4f: {  	s31 =	rddreg [dreg:$0x17]  }
0x50: {  	[hbm:s31], [sflag:s29] =	dma.local [spmem:s20], $0xC70  }
0x51: {  	s31 =	rddreg [dreg:$0x18]  }
0x52: {  	[hbm:s31], [sflag:s29] =	dma.local [spmem:s20], $0xC70  }
0x53: {  	[hbm:s5], [sflag:s29] =	dma.local [spmem:s20], $0xC70  }
0x54: {  	[hbm:s6], [sflag:s29] =	dma.local [spmem:s20], $0xC70  }
0x55: {  	[hbm:s7], [sflag:s29] =	dma.local [spmem:s20], $0xC70  }
0x56: {  	[hbm:s8], [sflag:s29] =	dma.local [spmem:s20], $0xC70  }
0x57: {  	[hbm:s9], [sflag:s29] =	dma.local [spmem:s20], $0xC70  }
0x58: {  	[hbm:s10], [sflag:s29] =	dma.local [spmem:s20], $0xC70  }
0x59: {  	[hbm:s11], [sflag:s29] =	dma.local [spmem:s20], $0xC70  }
0x5a: {  	[hbm:s12], [sflag:s29] =	dma.local [spmem:s20], $0xC70  }
0x5b: {  	[hbm:s13], [sflag:s29] =	dma.local [spmem:s20], $0xC70  }
0x5c: {  	[hbm:s14], [sflag:s29] =	dma.local [spmem:s20], $0xC70  }
0x5d: {  	[hbm:s15], [sflag:s29] =	dma.local [spmem:s20], $0xC70  }
0x5e: {  	[hbm:s16], [sflag:s29] =	dma.local [spmem:s20], $0xC70  }
0x5f: {  	[hbm:s17], [sflag:s29] =	dma.local [spmem:s20], $0xC70  }
0x60: {  	[hbm:s18], [sflag:s29] =	dma.local [spmem:s20], $0xC70  }
0x61: {  	_ =	swait.ge [sflag:s19], $0x1000  }
0x62: {  	[sflag:s19] =	ssyncset.done $0x0  }
0x63: {  	[sflag:s19] =	ssyncadd.s32 $0xFFFFF000  }
0x64: {  	_ =	swait.ge [sflag:s1], $0xC70  }
0x65: {  	[sflag:s1] =	ssyncset.done $0x0  }
0x66: {  	[sflag:s1] =	ssyncadd.s32 $0xFFFFF390  }
0x67: {  	_ =	swait.ge [sflag:s1], $0xC70  }
0x68: {  	[sflag:s1] =	ssyncset.done $0x0  }
0x69: {  	[sflag:s1] =	ssyncadd.s32 $0xFFFFF390  }
0x6a: {  	_ =	swait.ge [sflag:s1], $0xC70  }
0x6b: {  	[sflag:s1] =	ssyncset.done $0x0  }
0x6c: {  	[sflag:s1] =	ssyncadd.s32 $0xFFFFF390  }
0x6d: {  	_ =	swait.ge [sflag:s1], $0xC70  }
0x6e: {  	[sflag:s1] =	ssyncset.done $0x0  }
0x6f: {  	[sflag:s1] =	ssyncadd.s32 $0xFFFFF390  }
0x70: {  	_ =	swait.ge [sflag:s1], $0xC70  }
0x71: {  	[sflag:s1] =	ssyncset.done $0x0  }
0x72: {  	[sflag:s1] =	ssyncadd.s32 $0xFFFFF390  }
0x73: {  	_ =	swait.ge [sflag:s1], $0xC70  }
0x74: {  	[sflag:s1] =	ssyncset.done $0x0  }
0x75: {  	[sflag:s1] =	ssyncadd.s32 $0xFFFFF390  }
0x76: {  	_ =	swait.ge [sflag:s1], $0xC70  }
0x77: {  	[sflag:s1] =	ssyncset.done $0x0  }
0x78: {  	[sflag:s1] =	ssyncadd.s32 $0xFFFFF390  }
0x79: {  	_ =	swait.ge [sflag:s1], $0xC70  }
0x7a: {  	[sflag:s1] =	ssyncset.done $0x0  }
0x7b: {  	[sflag:s1] =	ssyncadd.s32 $0xFFFFF390  }
0x7c: {  	_ =	swait.ge [sflag:s1], $0xC70  }
0x7d: {  	[sflag:s1] =	ssyncset.done $0x0  }
0x7e: {  	[sflag:s1] =	ssyncadd.s32 $0xFFFFF390  }
0x7f: {  	_ =	swait.ge [sflag:s1], $0xC70  }
0x80: {  	[sflag:s1] =	ssyncset.done $0x0  }
0x81: {  	[sflag:s1] =	ssyncadd.s32 $0xFFFFF390  }
0x82: {  	_ =	swait.ge [sflag:s1], $0xC70  }
0x83: {  	[sflag:s1] =	ssyncset.done $0x0  }
0x84: {  	[sflag:s1] =	ssyncadd.s32 $0xFFFFF390  }
0x85: {  	_ =	swait.ge [sflag:s1], $0xC70  }
0x86: {  	[sflag:s1] =	ssyncset.done $0x0  }
0x87: {  	[sflag:s1] =	ssyncadd.s32 $0xFFFFF390  }
0x88: {  	_ =	swait.ge [sflag:s1], $0xC70  }
0x89: {  	[sflag:s1] =	ssyncset.done $0x0  }
0x8a: {  	[sflag:s1] =	ssyncadd.s32 $0xFFFFF390  }
0x8b: {  	_ =	swait.ge [sflag:s1], $0xC70  }
0x8c: {  	[sflag:s1] =	ssyncset.done $0x0  }
0x8d: {  	[sflag:s1] =	ssyncadd.s32 $0xFFFFF390  }
0x8e: {  	_ =	swait.ge [sflag:s1], $0xC70  }
0x8f: {  	[sflag:s1] =	ssyncset.done $0x0  }
0x90: {  	[sflag:s1] =	ssyncadd.s32 $0xFFFFF390  }
0x91: {  	_ =	swait.ge [sflag:s1], $0xC70  }
0x92: {  	[sflag:s1] =	ssyncset.done $0x0  }
0x93: {  	[sflag:s1] =	ssyncadd.s32 $0xFFFFF390  }
0x94: {  	_ =	swait.ge [sflag:s1], $0xC70  }
0x95: {  	[sflag:s1] =	ssyncset.done $0x0  }
0x96: {  	[sflag:s1] =	ssyncadd.s32 $0xFFFFF390  }
0x97: {  	_ =	swait.ge [sflag:s1], $0xC70  }
0x98: {  	[sflag:s1] =	ssyncset.done $0x0  }
0x99: {  	[sflag:s1] =	ssyncadd.s32 $0xFFFFF390  }
0x9a: {  	_ =	swait.ge [sflag:s1], $0xC70  }
0x9b: {  	[sflag:s1] =	ssyncset.done $0x0  }
0x9c: {  	[sflag:s1] =	ssyncadd.s32 $0xFFFFF390  }
0x9d: {  	_ =	swait.ge [sflag:s1], $0xC70  }
0x9e: {  	[sflag:s1] =	ssyncset.done $0x0  }
0x9f: {  	[sflag:s1] =	ssyncadd.s32 $0xFFFFF390  }
0xa0: {  	_ =	swait.ge [sflag:s1], $0xC70  }
0xa1: {  	[sflag:s1] =	ssyncset.done $0x0  }
0xa2: {  	[sflag:s1] =	ssyncadd.s32 $0xFFFFF390  }
0xa3: {  	_ =	swait.ge [sflag:s1], $0xC70  }
0xa4: {  	[sflag:s1] =	ssyncset.done $0x0  }
0xa5: {  	[sflag:s1] =	ssyncadd.s32 $0xFFFFF390  }
0xa6: {  	_ =	swait.ge [sflag:s1], $0xC70  }
0xa7: {  	[sflag:s1] =	ssyncset.done $0x0  }
0xa8: {  	[sflag:s1] =	ssyncadd.s32 $0xFFFFF390  }
0xa9: {  	_ =	swait.ge [sflag:s1], $0xC70  }
0xaa: {  	[sflag:s1] =	ssyncset.done $0x0  }
0xab: {  	[sflag:s1] =	ssyncadd.s32 $0xFFFFF390  }
0xac: {  	_ =	swait.ge [sflag:s1], $0xC70  }
0xad: {  	[sflag:s1] =	ssyncset.done $0x0  }
0xae: {  	[sflag:s1] =	ssyncadd.s32 $0xFFFFF390  }
0xaf: {  	_ =	swait.ge [sflag:s1], $0xC70  }
0xb0: {  	[sflag:s1] =	ssyncset.done $0x0  }
0xb1: {  	[sflag:s1] =	ssyncadd.s32 $0xFFFFF390  }
0xb2: {  	_ =	swait.ge [sflag:s1], $0xC70  }
0xb3: {  	[sflag:s1] =	ssyncset.done $0x0  }
0xb4: {  	[sflag:s1] =	ssyncadd.s32 $0xFFFFF390  }
0xb5: {  	_ =	swait.ge [sflag:s1], $0xC70  }
0xb6: {  	[sflag:s1] =	ssyncset.done $0x0  }
0xb7: {  	[sflag:s1] =	ssyncadd.s32 $0xFFFFF390  }
0xb8: {  	_ =	swait.ge [sflag:s1], $0xC70  }
0xb9: {  	[sflag:s1] =	ssyncset.done $0x0  }
0xba: {  	[sflag:s1] =	ssyncadd.s32 $0xFFFFF390  }
0xbb: {  	_ =	swait.ge [sflag:s1], $0xC70  }
0xbc: {  	s30 =	sadd.s32 $0xFFFFFFFF, s30;
	[sflag:s1] =	ssyncset.done $0x0  }
0xbd: {  	p2 =	sne.s32 s30, $0x0;
	[sflag:s1] =	ssyncadd.s32 $0xFFFFF390  }
.Ltmp1:
0xbe: {  	_ =	swait.ge [sflag:s1], $0xC70;
	(pc) =	sbr.rel @!p2 .LBB2_3-.Ltmp1, $4  }
0xbf: {  	[sflag:s1] =	ssyncset.done $0x0  }
0xc0: {  	[sflag:s1] =	ssyncadd.s32 $0xFFFFF390  }
0xc1: {  	_ =	swait.ge [sflag:s1], $0xC70  }
0xc2: {  	p1 =	por $0x1, $0x1;
	s31 =	rddreg [dreg:$0x5];
	[sflag:s1] =	ssyncset.done $0x0  }
.LBB2_2:
0xc3: {  	[sflag:s1] =	ssyncadd.s32 $0xFFFFF390  }
0xc4: {  	[spmem:s25], [sflag:s26] =	dma.local @!p0 [hbm:s31], $0xC80  }
0xc5: {  	_ =	swait.ge @!p0 [sflag:s28], $0xC80  }
0xc6: {  	[sflag:s28] =	ssyncset.done @!p0 $0x0  }
0xc7: {  	s31 =	rddreg [dreg:$0x6];
	[sflag:s28] =	ssyncadd.s32 @!p0 $0xFFFFF380  }
0xc8: {  	[tilespmem:s21], [sflag:$0x3] =	stream.linear.gather [hbm4b:s31+s3], $0x1000, $0x38;
	[tilespmem:$0x1640] =	vst v63  }
0xc9: {  	_ =	swait.ge [sflag:s24], $0x1000  }
0xca: {  	[sflag:s24] =	ssyncset.done $0x0  }
0xcb: {  	[sflag:s24] =	ssyncadd.s32 $0xFFFFF000  }
0xcc: {  	[bflag:$0x0] =	sbarrier.arrive $0xFFFF  }
0xcd: {  	s31 =	rddreg [dreg:$0x7]  }
0xce: {  	[hbm4b:s4+s22] =	stream.strided.scatter [tilespmem:s21], [sflag:$0x2], $0x1000, s23, s22, $0x38;
	[tilespmem:$0x1640] =	vst v63  }
0xcf: {  	[hbm:s31], [sflag:s29] =	dma.local [spmem:s20], $0xC70  }
0xd0: {  	s31 =	rddreg [dreg:$0x8]  }
0xd1: {  	[hbm:s31], [sflag:s29] =	dma.local [spmem:s20], $0xC70  }
0xd2: {  	s31 =	rddreg [dreg:$0x9]  }
0xd3: {  	[hbm:s31], [sflag:s29] =	dma.local [spmem:s20], $0xC70  }
0xd4: {  	s31 =	rddreg [dreg:$0xa]  }
0xd5: {  	[hbm:s31], [sflag:s29] =	dma.local [spmem:s20], $0xC70  }
0xd6: {  	s31 =	rddreg [dreg:$0xb]  }
0xd7: {  	[hbm:s31], [sflag:s29] =	dma.local [spmem:s20], $0xC70  }
0xd8: {  	s31 =	rddreg [dreg:$0xc]  }
0xd9: {  	[hbm:s31], [sflag:s29] =	dma.local [spmem:s20], $0xC70  }
0xda: {  	s31 =	rddreg [dreg:$0xd]  }
0xdb: {  	[hbm:s31], [sflag:s29] =	dma.local [spmem:s20], $0xC70  }
0xdc: {  	s31 =	rddreg [dreg:$0xe]  }
0xdd: {  	[hbm:s31], [sflag:s29] =	dma.local [spmem:s20], $0xC70  }
0xde: {  	s31 =	rddreg [dreg:$0xf]  }
0xdf: {  	[hbm:s31], [sflag:s29] =	dma.local [spmem:s20], $0xC70  }
0xe0: {  	s31 =	rddreg [dreg:$0x10]  }
0xe1: {  	[hbm:s31], [sflag:s29] =	dma.local [spmem:s20], $0xC70  }
0xe2: {  	s31 =	rddreg [dreg:$0x11]  }
0xe3: {  	[hbm:s31], [sflag:s29] =	dma.local [spmem:s20], $0xC70  }
0xe4: {  	s31 =	rddreg [dreg:$0x12]  }
0xe5: {  	[hbm:s31], [sflag:s29] =	dma.local [spmem:s20], $0xC70  }
0xe6: {  	s31 =	rddreg [dreg:$0x13]  }
0xe7: {  	[hbm:s31], [sflag:s29] =	dma.local [spmem:s20], $0xC70  }
0xe8: {  	s31 =	rddreg [dreg:$0x14]  }
0xe9: {  	[hbm:s31], [sflag:s29] =	dma.local [spmem:s20], $0xC70  }
0xea: {  	s31 =	rddreg [dreg:$0x15]  }
0xeb: {  	[hbm:s31], [sflag:s29] =	dma.local [spmem:s20], $0xC70  }
0xec: {  	s31 =	rddreg [dreg:$0x16]  }
0xed: {  	[hbm:s31], [sflag:s29] =	dma.local [spmem:s20], $0xC70  }
0xee: {  	s31 =	rddreg [dreg:$0x17]  }
0xef: {  	[hbm:s31], [sflag:s29] =	dma.local [spmem:s20], $0xC70  }
0xf0: {  	s31 =	rddreg [dreg:$0x18]  }
0xf1: {  	[hbm:s31], [sflag:s29] =	dma.local [spmem:s20], $0xC70  }
0xf2: {  	[hbm:s5], [sflag:s29] =	dma.local [spmem:s20], $0xC70  }
0xf3: {  	[hbm:s6], [sflag:s29] =	dma.local [spmem:s20], $0xC70  }
0xf4: {  	[hbm:s7], [sflag:s29] =	dma.local [spmem:s20], $0xC70  }
0xf5: {  	[hbm:s8], [sflag:s29] =	dma.local [spmem:s20], $0xC70  }
0xf6: {  	[hbm:s9], [sflag:s29] =	dma.local [spmem:s20], $0xC70  }
0xf7: {  	[hbm:s10], [sflag:s29] =	dma.local [spmem:s20], $0xC70  }
0xf8: {  	[hbm:s11], [sflag:s29] =	dma.local [spmem:s20], $0xC70  }
0xf9: {  	[hbm:s12], [sflag:s29] =	dma.local [spmem:s20], $0xC70  }
0xfa: {  	[hbm:s13], [sflag:s29] =	dma.local [spmem:s20], $0xC70  }
0xfb: {  	[hbm:s14], [sflag:s29] =	dma.local [spmem:s20], $0xC70  }
0xfc: {  	[hbm:s15], [sflag:s29] =	dma.local [spmem:s20], $0xC70  }
0xfd: {  	[hbm:s16], [sflag:s29] =	dma.local [spmem:s20], $0xC70  }
0xfe: {  	[hbm:s17], [sflag:s29] =	dma.local [spmem:s20], $0xC70  }
0xff: {  	[hbm:s18], [sflag:s29] =	dma.local [spmem:s20], $0xC70  }
0x100: {  	_ =	swait.ge [sflag:s19], $0x1000  }
0x101: {  	[sflag:s19] =	ssyncset.done $0x0  }
0x102: {  	[sflag:s19] =	ssyncadd.s32 $0xFFFFF000  }
0x103: {  	_ =	swait.ge [sflag:s1], $0xC70  }
0x104: {  	[sflag:s1] =	ssyncset.done $0x0  }
0x105: {  	[sflag:s1] =	ssyncadd.s32 $0xFFFFF390  }
0x106: {  	_ =	swait.ge [sflag:s1], $0xC70  }
0x107: {  	[sflag:s1] =	ssyncset.done $0x0  }
0x108: {  	[sflag:s1] =	ssyncadd.s32 $0xFFFFF390  }
0x109: {  	_ =	swait.ge [sflag:s1], $0xC70  }
0x10a: {  	[sflag:s1] =	ssyncset.done $0x0  }
0x10b: {  	[sflag:s1] =	ssyncadd.s32 $0xFFFFF390  }
0x10c: {  	_ =	swait.ge [sflag:s1], $0xC70  }
0x10d: {  	[sflag:s1] =	ssyncset.done $0x0  }
0x10e: {  	[sflag:s1] =	ssyncadd.s32 $0xFFFFF390  }
0x10f: {  	_ =	swait.ge [sflag:s1], $0xC70  }
0x110: {  	[sflag:s1] =	ssyncset.done $0x0  }
0x111: {  	[sflag:s1] =	ssyncadd.s32 $0xFFFFF390  }
0x112: {  	_ =	swait.ge [sflag:s1], $0xC70  }
0x113: {  	[sflag:s1] =	ssyncset.done $0x0  }
0x114: {  	[sflag:s1] =	ssyncadd.s32 $0xFFFFF390  }
0x115: {  	_ =	swait.ge [sflag:s1], $0xC70  }
0x116: {  	[sflag:s1] =	ssyncset.done $0x0  }
0x117: {  	[sflag:s1] =	ssyncadd.s32 $0xFFFFF390  }
0x118: {  	_ =	swait.ge [sflag:s1], $0xC70  }
0x119: {  	[sflag:s1] =	ssyncset.done $0x0  }
0x11a: {  	[sflag:s1] =	ssyncadd.s32 $0xFFFFF390  }
0x11b: {  	_ =	swait.ge [sflag:s1], $0xC70  }
0x11c: {  	[sflag:s1] =	ssyncset.done $0x0  }
0x11d: {  	[sflag:s1] =	ssyncadd.s32 $0xFFFFF390  }
0x11e: {  	_ =	swait.ge [sflag:s1], $0xC70  }
0x11f: {  	[sflag:s1] =	ssyncset.done $0x0  }
0x120: {  	[sflag:s1] =	ssyncadd.s32 $0xFFFFF390  }
0x121: {  	_ =	swait.ge [sflag:s1], $0xC70  }
0x122: {  	[sflag:s1] =	ssyncset.done $0x0  }
0x123: {  	[sflag:s1] =	ssyncadd.s32 $0xFFFFF390  }
0x124: {  	_ =	swait.ge [sflag:s1], $0xC70  }
0x125: {  	[sflag:s1] =	ssyncset.done $0x0  }
0x126: {  	[sflag:s1] =	ssyncadd.s32 $0xFFFFF390  }
0x127: {  	_ =	swait.ge [sflag:s1], $0xC70  }
0x128: {  	[sflag:s1] =	ssyncset.done $0x0  }
0x129: {  	[sflag:s1] =	ssyncadd.s32 $0xFFFFF390  }
0x12a: {  	_ =	swait.ge [sflag:s1], $0xC70  }
0x12b: {  	[sflag:s1] =	ssyncset.done $0x0  }
0x12c: {  	[sflag:s1] =	ssyncadd.s32 $0xFFFFF390  }
0x12d: {  	_ =	swait.ge [sflag:s1], $0xC70  }
0x12e: {  	[sflag:s1] =	ssyncset.done $0x0  }
0x12f: {  	[sflag:s1] =	ssyncadd.s32 $0xFFFFF390  }
0x130: {  	_ =	swait.ge [sflag:s1], $0xC70  }
0x131: {  	[sflag:s1] =	ssyncset.done $0x0  }
0x132: {  	[sflag:s1] =	ssyncadd.s32 $0xFFFFF390  }
0x133: {  	_ =	swait.ge [sflag:s1], $0xC70  }
0x134: {  	[sflag:s1] =	ssyncset.done $0x0  }
0x135: {  	[sflag:s1] =	ssyncadd.s32 $0xFFFFF390  }
0x136: {  	_ =	swait.ge [sflag:s1], $0xC70  }
0x137: {  	[sflag:s1] =	ssyncset.done $0x0  }
0x138: {  	[sflag:s1] =	ssyncadd.s32 $0xFFFFF390  }
0x139: {  	_ =	swait.ge [sflag:s1], $0xC70  }
0x13a: {  	[sflag:s1] =	ssyncset.done $0x0  }
0x13b: {  	[sflag:s1] =	ssyncadd.s32 $0xFFFFF390  }
0x13c: {  	_ =	swait.ge [sflag:s1], $0xC70  }
0x13d: {  	[sflag:s1] =	ssyncset.done $0x0  }
0x13e: {  	[sflag:s1] =	ssyncadd.s32 $0xFFFFF390  }
0x13f: {  	_ =	swait.ge [sflag:s1], $0xC70  }
0x140: {  	[sflag:s1] =	ssyncset.done $0x0  }
0x141: {  	[sflag:s1] =	ssyncadd.s32 $0xFFFFF390  }
0x142: {  	_ =	swait.ge [sflag:s1], $0xC70  }
0x143: {  	[sflag:s1] =	ssyncset.done $0x0  }
0x144: {  	[sflag:s1] =	ssyncadd.s32 $0xFFFFF390  }
0x145: {  	_ =	swait.ge [sflag:s1], $0xC70  }
0x146: {  	[sflag:s1] =	ssyncset.done $0x0  }
0x147: {  	[sflag:s1] =	ssyncadd.s32 $0xFFFFF390  }
0x148: {  	_ =	swait.ge [sflag:s1], $0xC70  }
0x149: {  	[sflag:s1] =	ssyncset.done $0x0  }
0x14a: {  	[sflag:s1] =	ssyncadd.s32 $0xFFFFF390  }
0x14b: {  	_ =	swait.ge [sflag:s1], $0xC70  }
0x14c: {  	[sflag:s1] =	ssyncset.done $0x0  }
0x14d: {  	[sflag:s1] =	ssyncadd.s32 $0xFFFFF390  }
0x14e: {  	_ =	swait.ge [sflag:s1], $0xC70  }
0x14f: {  	[sflag:s1] =	ssyncset.done $0x0  }
0x150: {  	[sflag:s1] =	ssyncadd.s32 $0xFFFFF390  }
0x151: {  	_ =	swait.ge [sflag:s1], $0xC70  }
0x152: {  	[sflag:s1] =	ssyncset.done $0x0  }
0x153: {  	[sflag:s1] =	ssyncadd.s32 $0xFFFFF390  }
0x154: {  	_ =	swait.ge [sflag:s1], $0xC70  }
0x155: {  	[sflag:s1] =	ssyncset.done $0x0  }
0x156: {  	[sflag:s1] =	ssyncadd.s32 $0xFFFFF390  }
0x157: {  	_ =	swait.ge [sflag:s1], $0xC70  }
0x158: {  	[sflag:s1] =	ssyncset.done $0x0  }
0x159: {  	[sflag:s1] =	ssyncadd.s32 $0xFFFFF390  }
0x15a: {  	_ =	swait.ge [sflag:s1], $0xC70  }
0x15b: {  	s30 =	sadd.s32 $0xFFFFFFFF, s30;
	[sflag:s1] =	ssyncset.done $0x0  }
0x15c: {  	p2 =	sne.s32 s30, $0x0;
	[sflag:s1] =	ssyncadd.s32 $0xFFFFF390  }
.Ltmp2:
0x15d: {  	_ =	swait.ge [sflag:s1], $0xC70;
	(pc) =	sbr.rel @p2 .LBB2_2-.Ltmp2, $4  }
0x15e: {  	[sflag:s1] =	ssyncset.done $0x0  }
0x15f: {  	[sflag:s1] =	ssyncadd.s32 $0xFFFFF390  }
0x160: {  	_ =	swait.ge [sflag:s1], $0xC70  }
0x161: {  	s31 =	rddreg [dreg:$0x5];
	[sflag:s1] =	ssyncset.done $0x0  }
.LBB2_3:
0x162: {  	[sflag:s1] =	ssyncadd.s32 @p1 $0xFFFFF390;
	s26 =	simm.s32 @!p0 $0x1C03  }
0x163: {  	[spmem:s25], [sflag:s26] =	dma.local @!p0 [hbm:s31], $0xC80  }
0x164: {  	s25 =	simm.s32 @!p0 $0x3  }
0x165: {  	_ =	swait.ge @!p0 [sflag:s25], $0xC80  }
0x166: {  	[sflag:s25] =	ssyncset.done @!p0 $0x0  }
0x167: {  	s30 =	rddreg [dreg:$0x6];
	[sflag:s25] =	ssyncadd.s32 @!p0 $0xFFFFF380  }
0x168: {  	[tilespmem:s21], [sflag:$0x3] =	stream.linear.gather [hbm4b:s30+s3], $0x1000, $0x38;
	[tilespmem:$0x1640] =	vst v63  }
0x169: {  	_ =	swait.ge [sflag:s24], $0x1000  }
0x16a: {  	[sflag:s24] =	ssyncset.done $0x0  }
0x16b: {  	[sflag:s24] =	ssyncadd.s32 $0xFFFFF000  }
0x16c: {  	[bflag:$0x0] =	sbarrier.arrive $0xFFFF  }
0x16d: {  	s2 =	sor.u32 $0x1C01, s2;
	s31 =	rddreg [dreg:$0x7]  }
0x16e: {  	[hbm4b:s4+s22] =	stream.strided.scatter [tilespmem:s21], [sflag:$0x2], $0x1000, s23, s22, $0x38;
	[tilespmem:$0x1640] =	vst v63  }
0x16f: {  	[hbm:s31], [sflag:s2] =	dma.local [spmem:s20], $0xC70  }
0x170: {  	s3 =	rddreg [dreg:$0x8]  }
0x171: {  	[hbm:s3], [sflag:s2] =	dma.local [spmem:s20], $0xC70  }
0x172: {  	s3 =	rddreg [dreg:$0x9]  }
0x173: {  	[hbm:s3], [sflag:s2] =	dma.local [spmem:s20], $0xC70  }
0x174: {  	s3 =	rddreg [dreg:$0xa]  }
0x175: {  	[hbm:s3], [sflag:s2] =	dma.local [spmem:s20], $0xC70  }
0x176: {  	s3 =	rddreg [dreg:$0xb]  }
0x177: {  	[hbm:s3], [sflag:s2] =	dma.local [spmem:s20], $0xC70  }
0x178: {  	s3 =	rddreg [dreg:$0xc]  }
0x179: {  	[hbm:s3], [sflag:s2] =	dma.local [spmem:s20], $0xC70  }
0x17a: {  	s3 =	rddreg [dreg:$0xd]  }
0x17b: {  	[hbm:s3], [sflag:s2] =	dma.local [spmem:s20], $0xC70  }
0x17c: {  	s3 =	rddreg [dreg:$0xe]  }
0x17d: {  	[hbm:s3], [sflag:s2] =	dma.local [spmem:s20], $0xC70  }
0x17e: {  	s3 =	rddreg [dreg:$0xf]  }
0x17f: {  	[hbm:s3], [sflag:s2] =	dma.local [spmem:s20], $0xC70  }
0x180: {  	s3 =	rddreg [dreg:$0x10]  }
0x181: {  	[hbm:s3], [sflag:s2] =	dma.local [spmem:s20], $0xC70  }
0x182: {  	s3 =	rddreg [dreg:$0x11]  }
0x183: {  	[hbm:s3], [sflag:s2] =	dma.local [spmem:s20], $0xC70  }
0x184: {  	s3 =	rddreg [dreg:$0x12]  }
0x185: {  	[hbm:s3], [sflag:s2] =	dma.local [spmem:s20], $0xC70  }
0x186: {  	s3 =	rddreg [dreg:$0x13]  }
0x187: {  	[hbm:s3], [sflag:s2] =	dma.local [spmem:s20], $0xC70  }
0x188: {  	s3 =	rddreg [dreg:$0x14]  }
0x189: {  	[hbm:s3], [sflag:s2] =	dma.local [spmem:s20], $0xC70  }
0x18a: {  	s3 =	rddreg [dreg:$0x15]  }
0x18b: {  	[hbm:s3], [sflag:s2] =	dma.local [spmem:s20], $0xC70  }
0x18c: {  	s3 =	rddreg [dreg:$0x16]  }
0x18d: {  	[hbm:s3], [sflag:s2] =	dma.local [spmem:s20], $0xC70  }
0x18e: {  	s3 =	rddreg [dreg:$0x17]  }
0x18f: {  	[hbm:s3], [sflag:s2] =	dma.local [spmem:s20], $0xC70  }
0x190: {  	s3 =	rddreg [dreg:$0x18]  }
0x191: {  	[hbm:s3], [sflag:s2] =	dma.local [spmem:s20], $0xC70  }
0x192: {  	[hbm:s5], [sflag:s2] =	dma.local [spmem:s20], $0xC70  }
0x193: {  	[hbm:s6], [sflag:s2] =	dma.local [spmem:s20], $0xC70  }
0x194: {  	[hbm:s7], [sflag:s2] =	dma.local [spmem:s20], $0xC70  }
0x195: {  	[hbm:s8], [sflag:s2] =	dma.local [spmem:s20], $0xC70  }
0x196: {  	[hbm:s9], [sflag:s2] =	dma.local [spmem:s20], $0xC70  }
0x197: {  	[hbm:s10], [sflag:s2] =	dma.local [spmem:s20], $0xC70  }
0x198: {  	[hbm:s11], [sflag:s2] =	dma.local [spmem:s20], $0xC70  }
0x199: {  	[hbm:s12], [sflag:s2] =	dma.local [spmem:s20], $0xC70  }
0x19a: {  	[hbm:s13], [sflag:s2] =	dma.local [spmem:s20], $0xC70  }
0x19b: {  	[hbm:s14], [sflag:s2] =	dma.local [spmem:s20], $0xC70  }
0x19c: {  	[hbm:s15], [sflag:s2] =	dma.local [spmem:s20], $0xC70  }
0x19d: {  	[hbm:s16], [sflag:s2] =	dma.local [spmem:s20], $0xC70  }
0x19e: {  	[hbm:s17], [sflag:s2] =	dma.local [spmem:s20], $0xC70  }
0x19f: {  	[hbm:s18], [sflag:s2] =	dma.local [spmem:s20], $0xC70  }
0x1a0: {  	_ =	swait.ge [sflag:s19], $0x1000  }
0x1a1: {  	[sflag:s19] =	ssyncset.done $0x0  }
0x1a2: {  	[sflag:s19] =	ssyncadd.s32 $0xFFFFF000  }
0x1a3: {  	_ =	swait.ge [sflag:s1], $0xC70  }
0x1a4: {  	[sflag:s1] =	ssyncset.done $0x0  }
0x1a5: {  	[sflag:s1] =	ssyncadd.s32 $0xFFFFF390  }
0x1a6: {  	_ =	swait.ge [sflag:s1], $0xC70  }
0x1a7: {  	[sflag:s1] =	ssyncset.done $0x0  }
0x1a8: {  	[sflag:s1] =	ssyncadd.s32 $0xFFFFF390  }
0x1a9: {  	_ =	swait.ge [sflag:s1], $0xC70  }
0x1aa: {  	[sflag:s1] =	ssyncset.done $0x0  }
0x1ab: {  	[sflag:s1] =	ssyncadd.s32 $0xFFFFF390  }
0x1ac: {  	_ =	swait.ge [sflag:s1], $0xC70  }
0x1ad: {  	[sflag:s1] =	ssyncset.done $0x0  }
0x1ae: {  	[sflag:s1] =	ssyncadd.s32 $0xFFFFF390  }
0x1af: {  	_ =	swait.ge [sflag:s1], $0xC70  }
0x1b0: {  	[sflag:s1] =	ssyncset.done $0x0  }
0x1b1: {  	[sflag:s1] =	ssyncadd.s32 $0xFFFFF390  }
0x1b2: {  	_ =	swait.ge [sflag:s1], $0xC70  }
0x1b3: {  	[sflag:s1] =	ssyncset.done $0x0  }
0x1b4: {  	[sflag:s1] =	ssyncadd.s32 $0xFFFFF390  }
0x1b5: {  	_ =	swait.ge [sflag:s1], $0xC70  }
0x1b6: {  	[sflag:s1] =	ssyncset.done $0x0  }
0x1b7: {  	[sflag:s1] =	ssyncadd.s32 $0xFFFFF390  }
0x1b8: {  	_ =	swait.ge [sflag:s1], $0xC70  }
0x1b9: {  	[sflag:s1] =	ssyncset.done $0x0  }
0x1ba: {  	[sflag:s1] =	ssyncadd.s32 $0xFFFFF390  }
0x1bb: {  	_ =	swait.ge [sflag:s1], $0xC70  }
0x1bc: {  	[sflag:s1] =	ssyncset.done $0x0  }
0x1bd: {  	[sflag:s1] =	ssyncadd.s32 $0xFFFFF390  }
0x1be: {  	_ =	swait.ge [sflag:s1], $0xC70  }
0x1bf: {  	[sflag:s1] =	ssyncset.done $0x0  }
0x1c0: {  	[sflag:s1] =	ssyncadd.s32 $0xFFFFF390  }
0x1c1: {  	_ =	swait.ge [sflag:s1], $0xC70  }
0x1c2: {  	[sflag:s1] =	ssyncset.done $0x0  }
0x1c3: {  	[sflag:s1] =	ssyncadd.s32 $0xFFFFF390  }
0x1c4: {  	_ =	swait.ge [sflag:s1], $0xC70  }
0x1c5: {  	[sflag:s1] =	ssyncset.done $0x0  }
0x1c6: {  	[sflag:s1] =	ssyncadd.s32 $0xFFFFF390  }
0x1c7: {  	_ =	swait.ge [sflag:s1], $0xC70  }
0x1c8: {  	[sflag:s1] =	ssyncset.done $0x0  }
0x1c9: {  	[sflag:s1] =	ssyncadd.s32 $0xFFFFF390  }
0x1ca: {  	_ =	swait.ge [sflag:s1], $0xC70  }
0x1cb: {  	[sflag:s1] =	ssyncset.done $0x0  }
0x1cc: {  	[sflag:s1] =	ssyncadd.s32 $0xFFFFF390  }
0x1cd: {  	_ =	swait.ge [sflag:s1], $0xC70  }
0x1ce: {  	[sflag:s1] =	ssyncset.done $0x0  }
0x1cf: {  	[sflag:s1] =	ssyncadd.s32 $0xFFFFF390  }
0x1d0: {  	_ =	swait.ge [sflag:s1], $0xC70  }
0x1d1: {  	[sflag:s1] =	ssyncset.done $0x0  }
0x1d2: {  	[sflag:s1] =	ssyncadd.s32 $0xFFFFF390  }
0x1d3: {  	_ =	swait.ge [sflag:s1], $0xC70  }
0x1d4: {  	[sflag:s1] =	ssyncset.done $0x0  }
0x1d5: {  	[sflag:s1] =	ssyncadd.s32 $0xFFFFF390  }
0x1d6: {  	_ =	swait.ge [sflag:s1], $0xC70  }
0x1d7: {  	[sflag:s1] =	ssyncset.done $0x0  }
0x1d8: {  	[sflag:s1] =	ssyncadd.s32 $0xFFFFF390  }
0x1d9: {  	_ =	swait.ge [sflag:s1], $0xC70  }
0x1da: {  	[sflag:s1] =	ssyncset.done $0x0  }
0x1db: {  	[sflag:s1] =	ssyncadd.s32 $0xFFFFF390  }
0x1dc: {  	_ =	swait.ge [sflag:s1], $0xC70  }
0x1dd: {  	[sflag:s1] =	ssyncset.done $0x0  }
0x1de: {  	[sflag:s1] =	ssyncadd.s32 $0xFFFFF390  }
0x1df: {  	_ =	swait.ge [sflag:s1], $0xC70  }
0x1e0: {  	[sflag:s1] =	ssyncset.done $0x0  }
0x1e1: {  	[sflag:s1] =	ssyncadd.s32 $0xFFFFF390  }
0x1e2: {  	_ =	swait.ge [sflag:s1], $0xC70  }
0x1e3: {  	[sflag:s1] =	ssyncset.done $0x0  }
0x1e4: {  	[sflag:s1] =	ssyncadd.s32 $0xFFFFF390  }
0x1e5: {  	_ =	swait.ge [sflag:s1], $0xC70  }
0x1e6: {  	[sflag:s1] =	ssyncset.done $0x0  }
0x1e7: {  	[sflag:s1] =	ssyncadd.s32 $0xFFFFF390  }
0x1e8: {  	_ =	swait.ge [sflag:s1], $0xC70  }
0x1e9: {  	[sflag:s1] =	ssyncset.done $0x0  }
0x1ea: {  	[sflag:s1] =	ssyncadd.s32 $0xFFFFF390  }
0x1eb: {  	_ =	swait.ge [sflag:s1], $0xC70  }
0x1ec: {  	[sflag:s1] =	ssyncset.done $0x0  }
0x1ed: {  	[sflag:s1] =	ssyncadd.s32 $0xFFFFF390  }
0x1ee: {  	_ =	swait.ge [sflag:s1], $0xC70  }
0x1ef: {  	[sflag:s1] =	ssyncset.done $0x0  }
0x1f0: {  	[sflag:s1] =	ssyncadd.s32 $0xFFFFF390  }
0x1f1: {  	_ =	swait.ge [sflag:s1], $0xC70  }
0x1f2: {  	[sflag:s1] =	ssyncset.done $0x0  }
0x1f3: {  	[sflag:s1] =	ssyncadd.s32 $0xFFFFF390  }
0x1f4: {  	_ =	swait.ge [sflag:s1], $0xC70  }
0x1f5: {  	[sflag:s1] =	ssyncset.done $0x0  }
0x1f6: {  	[sflag:s1] =	ssyncadd.s32 $0xFFFFF390  }
0x1f7: {  	_ =	swait.ge [sflag:s1], $0xC70  }
0x1f8: {  	[sflag:s1] =	ssyncset.done $0x0  }
0x1f9: {  	[sflag:s1] =	ssyncadd.s32 $0xFFFFF390  }
0x1fa: {  	_ =	swait.ge [sflag:s1], $0xC70  }
0x1fb: {  	[sflag:s1] =	ssyncset.done $0x0  }
0x1fc: {  	[sflag:s1] =	ssyncadd.s32 $0xFFFFF390  }
0x1fd: {  	_ =	swait.ge [sflag:s1], $0xC70  }
0x1fe: {  	[sflag:s1] =	ssyncset.done $0x0  }
0x1ff: {  	[sflag:s1] =	ssyncadd.s32 $0xFFFFF390  }
0x200: {  	_ =	swait.ge [sflag:s1], $0xC70  }
0x201: {  	[sflag:s1] =	ssyncset.done $0x0  }
0x202: {  	[sflag:s1] =	ssyncadd.s32 $0xFFFFF390  }
0x203: {  	_ =	sfence.sel $0x180000  }
0x204: {  	[bflag:$0x0] =	sbarrier.arrive $0xFFFF  }
0x205: {  	_ =	strace $0x90000047  }
0x206: {  	s0 =	sadd.s32 @!p0 $0x100000, s0;
	[bflag:$0x2] =	sbarrier.arrive $0xFFFF  }
0x207: {  	[sflag:s0] =	ssyncadd.tile.s32 @!p0 $0x1;
	_ =	shalt  }
.Lfunc_end2:
_tile_overlayer_lowered:
.L_overlay_start_2:
0x208: {  	(tag) =	ssettag $0x2  }
0x209: {  	s0 =	rddreg [dreg:$0x0];
	s2 =	stileid.u32  }
0x20a: {  	s1 =	rddreg [dreg:$0x1];
	p0 =	sne.s32 s2, $0x0  }
0x20b: {  	s3 =	rddreg [dreg:$0x2];
	[bflag:$0x3] =	sbarrier.arrive $0xFFFF;
	s2 =	simm.s32 @!p0 $0x1C03  }
0x20c: {  	[timem:s3], [sflag:s2] =	dma.local @!p0 [hbm:s0], s1  }
0x20d: {  	s0 =	simm.s32 @!p0 $0x3  }
0x20e: {  	_ =	swait.ge @!p0 [sflag:s0], s1  }
0x20f: {  	s1 =	ssub.s32 @!p0 $0x0, s1;
	[sflag:s0] =	ssyncset.done @!p0 $0x0  }
0x210: {  	[sflag:s0] =	ssyncadd.s32 @!p0 s1  }
0x211: {  	[bflag:$0x3] =	sbarrier.arrive $0xFFFF  }
0x212: {  	_ =	shalt  }

</sc_bundles>
